<compile_context>
chip_gen: v7x
topology: tpu7x:2x2x1
jax: 0.10.2.dev20260603
libtpu: 0.0.44.dev20260713+nightly
codegen_flags: <defaults>
</compile_context>

<pallas_src>
import functools

import jax
import jax.numpy as jnp
from jax import lax
from jax.experimental import pallas as pl
from jax.experimental.pallas import tpu as pltpu
from jax.experimental.pallas import tpu_sc as plsc

N = 10000
E = 320000
D = 128
DH = D // 2
NC = 2
NS = 16
NW = NC * NS
CHUNK = 128
NCH = 160
RCH = 16
NR = NCH // RCH
EPAD = NCH * NS * CHUNK
NP = 10112
DW = 128

_mesh = plsc.VectorSubcoreMesh(core_axis_name="c", subcore_axis_name="s")



@functools.partial(
    pl.kernel,
    out_type=jax.ShapeDtypeStruct((NC, NP, DW), jnp.float32),
    mesh=_mesh,
    scratch_types=[
        pltpu.VMEM_SHARED((NP, DW), jnp.float32),
        pltpu.VMEM((NCH // 4, CHUNK), jnp.int32),
        pltpu.VMEM((CHUNK, DW), jnp.float32),
    ],
)
def _deg_sc(col_hbm, ones_hbm, zeros_hbm, out_hbm, acc_sp, cidx, ones_v):
    c = lax.axis_index("c")
    s = lax.axis_index("s")
    wid = s * NC + c
    rz = NP // NS
    pltpu.sync_copy(zeros_hbm.at[pl.ds(s * rz, rz)], acc_sp.at[pl.ds(s * rz, rz)])
    pltpu.sync_copy(ones_hbm, ones_v)
    plsc.subcore_barrier()

    for h in range(2):
        pltpu.sync_copy(
            col_hbm.at[pl.ds(wid * (NCH // 2) + h * (NCH // 4), NCH // 4)], cidx)

        @pl.loop(0, NCH // 4)
        def _(i):
            pltpu.sync_copy(ones_v, acc_sp.at[cidx.at[i]], add=True)

    plsc.subcore_barrier()
    pltpu.sync_copy(acc_sp.at[pl.ds(s * rz, rz)], out_hbm.at[c, pl.ds(s * rz, rz)])



_DEPTH = 4

@functools.partial(
    pl.kernel,
    out_type=jax.ShapeDtypeStruct((NC, NP, DH), jnp.float32),
    mesh=_mesh,
    scratch_types=[
        pltpu.VMEM_SHARED((NP, DH), jnp.float32),
        pltpu.VMEM((NCH, CHUNK), jnp.int32),
        pltpu.VMEM((NCH, CHUNK), jnp.int32),
    ] + [pltpu.VMEM((CHUNK, DH), jnp.float32)] * _DEPTH
      + [pltpu.SemaphoreType.DMA] * _DEPTH,
    compiler_params=pltpu.CompilerParams(use_tc_tiling_on_sc=False),
)
def _agg_sc(y_hbm, row_hbm, col_hbm, zeros_hbm, out_hbm,
            acc_sp, ridx, cidx, *bufs_sems):
    rows = bufs_sems[:_DEPTH]
    sems = bufs_sems[_DEPTH:]
    c = lax.axis_index("c")
    s = lax.axis_index("s")
    rz = NP // NS
    sl = pl.ds(s * rz, rz)
    pltpu.sync_copy(zeros_hbm.at[sl], acc_sp.at[sl])
    pltpu.sync_copy(row_hbm.at[pl.ds((c * NS + s) * NCH, NCH)], ridx)
    pltpu.sync_copy(col_hbm.at[pl.ds(s * NCH, NCH)], cidx)
    plsc.subcore_barrier()

    for k in range(_DEPTH - 1):
        pltpu.async_copy(y_hbm.at[ridx.at[k]], rows[k], sems[k])

    @pl.loop(0, NCH // _DEPTH)
    def _(jj):
        i0 = jj * _DEPTH
        for k in range(_DEPTH):
            i = i0 + k
            kpre = (k + _DEPTH - 1) % _DEPTH
            @pl.when(i + _DEPTH - 1 < NCH)
            def _():
                pltpu.async_copy(y_hbm.at[ridx.at[i + _DEPTH - 1]],
                                 rows[kpre], sems[kpre])
            pltpu.make_async_copy(y_hbm.at[ridx.at[i]], rows[k], sems[k]).wait()
            pltpu.sync_copy(rows[k], acc_sp.at[cidx.at[i]], add=True)

    plsc.subcore_barrier()
    pltpu.sync_copy(acc_sp.at[sl], out_hbm.at[c, sl])



_BM = 1000


def _dvec(degp_ref):
    deg = degp_ref[0, :, 0] + degp_ref[1, :, 0] + 2.0
    return lax.rsqrt(deg)[:, None]


def _split(y):
    return jnp.stack([y[:, :DH], y[:, DH:]], axis=0)


def _mm_scale(x, W, degp):
    def body(x_ref, w_ref, degp_ref, o_ref):
        d = _dvec(degp_ref)
        y = d * jnp.dot(x_ref[...], w_ref[...],
                        preferred_element_type=jnp.float32)
        o_ref[...] = _split(y)

    return pl.pallas_call(
        body,
        grid=(N // _BM,),
        in_specs=[
            pl.BlockSpec((_BM, D), lambda i: (i, 0)),
            pl.BlockSpec((D, D), lambda i: (0, 0)),
            pl.BlockSpec((NC, _BM, DW), lambda i: (0, i, 0)),
        ],
        out_specs=pl.BlockSpec((NC, _BM, DH), lambda i: (0, i, 0)),
        out_shape=jax.ShapeDtypeStruct((NC, NP, DH), jnp.float32),
    )(x, W, degp)


def _mid(aggp, y1, degp, b1, W2):
    def body(a_ref, y_ref, degp_ref, b_ref, w_ref, o_ref):
        d = _dvec(degp_ref)
        agg = jnp.concatenate([a_ref[0], a_ref[1]], axis=-1)
        y = jnp.concatenate([y_ref[0], y_ref[1]], axis=-1)
        h = d * (agg + 2.0 * y) + b_ref[...]
        h = jnp.maximum(h, 0.0)
        y2 = d * jnp.dot(h, w_ref[...], preferred_element_type=jnp.float32)
        o_ref[...] = _split(y2)

    return pl.pallas_call(
        body,
        grid=(N // _BM,),
        in_specs=[
            pl.BlockSpec((NC, _BM, DH), lambda i: (0, i, 0)),
            pl.BlockSpec((NC, _BM, DH), lambda i: (0, i, 0)),
            pl.BlockSpec((NC, _BM, DW), lambda i: (0, i, 0)),
            pl.BlockSpec((1, D), lambda i: (0, 0)),
            pl.BlockSpec((D, D), lambda i: (0, 0)),
        ],
        out_specs=pl.BlockSpec((NC, _BM, DH), lambda i: (0, i, 0)),
        out_shape=jax.ShapeDtypeStruct((NC, NP, DH), jnp.float32),
    )(aggp, y1, degp, b1, W2)


def _post(aggp, y2, degp, b2):
    def body(a_ref, y_ref, degp_ref, b_ref, o_ref):
        d = _dvec(degp_ref)
        agg = jnp.concatenate([a_ref[0], a_ref[1]], axis=-1)
        y = jnp.concatenate([y_ref[0], y_ref[1]], axis=-1)
        o_ref[...] = d * (agg + 2.0 * y) + b_ref[...]

    return pl.pallas_call(
        body,
        grid=(N // _BM,),
        in_specs=[
            pl.BlockSpec((NC, _BM, DH), lambda i: (0, i, 0)),
            pl.BlockSpec((NC, _BM, DH), lambda i: (0, i, 0)),
            pl.BlockSpec((NC, _BM, DW), lambda i: (0, i, 0)),
            pl.BlockSpec((1, D), lambda i: (0, 0)),
        ],
        out_specs=pl.BlockSpec((_BM, D), lambda i: (i, 0)),
        out_shape=jax.ShapeDtypeStruct((N, D), jnp.float32),
    )(aggp, y2, degp, b2)


def kernel(x, edge_index, W1, b1, W2, b2):
    ei = edge_index.astype(jnp.int32)
    row = jnp.concatenate([ei[0], jnp.zeros((EPAD - E,), jnp.int32)])
    col = jnp.concatenate([ei[1], jnp.full((EPAD - E,), N, jnp.int32)])
    row2 = jnp.concatenate([row, row + NP]).reshape(2 * NCH * NS, CHUNK)
    col = col.reshape(NCH * NS, CHUNK)
    zeros_h = jnp.zeros((NP, DH), jnp.float32)
    zeros_w = jnp.zeros((NP, DW), jnp.float32)
    ones_w = jnp.ones((CHUNK, DW), jnp.float32)

    degp = _deg_sc(col, ones_w, zeros_w)
    y1 = _mm_scale(x, W1, degp)
    aggp1 = _agg_sc(y1.reshape(NC * NP, DH), row2, col, zeros_h)
    y2 = _mid(aggp1, y1, degp, b1.reshape(1, D), W2)
    aggp2 = _agg_sc(y2.reshape(NC * NP, DH), row2, col, zeros_h)
    return _post(aggp2, y2, degp, b2.reshape(1, D))

# --- scband reference (transcript-rebuilt; emitter-appended) ---
"""Pipeline reference for scband-grace-60378650247357 (READ-ONLY COPY).

The authoritative reference and input builder live on the scoring server;
editing this copy changes nothing except your own understanding.
"""

import jax, jax.numpy as jnp
import numpy as np

N_NODES = 10000
N_EDGES = 320000
D_IN = 128
D_HID = 128
D_OUT = 128


def setup_inputs(seed: int = 0) -> dict:
    key = jax.random.key(seed)
    k1, k2, k3, k4, k5, k6 = jax.random.split(key, 6)
    x = jax.random.normal(k1, (N_NODES, D_IN), dtype=jnp.float32)
    edge_index = jax.random.randint(k2, (2, N_EDGES), 0, N_NODES, dtype=jnp.int64)
    # GCNConv layer 1 params (glorot-ish init)
    W1 = jax.random.normal(k3, (D_IN, D_HID), dtype=jnp.float32) * (1.0 / np.sqrt(D_IN))
    b1 = jnp.zeros((D_HID,), dtype=jnp.float32)
    # GCNConv layer 2 params
    W2 = jax.random.normal(k4, (D_HID, D_OUT), dtype=jnp.float32) * (1.0 / np.sqrt(D_HID))
    b2 = jnp.zeros((D_OUT,), dtype=jnp.float32)
    return {"x": x, "edge_index": edge_index, "W1": W1, "b1": b1, "W2": W2, "b2": b2}


def _add_self_loops(edge_index, num_nodes):
    loop = jnp.arange(num_nodes, dtype=edge_index.dtype)
    loops = jnp.stack([loop, loop], axis=0)
    return jnp.concatenate([edge_index, loops], axis=1)


def _gcn_conv(x, edge_index, W, b, num_nodes):
    # PyG GCNConv default also adds self loops internally
    ei = _add_self_loops(edge_index, num_nodes)
    row, col = ei[0], ei[1]
    xw = x @ W
    # symmetric degree normalization (edge_weight = 1)
    deg = jnp.zeros((num_nodes,), dtype=x.dtype).at[col].add(1.0)
    deg_inv_sqrt = jnp.where(deg > 0, deg ** -0.5, 0.0)
    norm = deg_inv_sqrt[row] * deg_inv_sqrt[col]
    msg = xw[row] * norm[:, None]
    out = jnp.zeros((num_nodes, W.shape[1]), dtype=x.dtype).at[col].add(msg)
    return out + b


def reference(x, edge_index, W1, b1, W2, b2):
    num_nodes = x.shape[0]
    # GRACEEncoder.forward: explicit add_self_loops once at encoder level
    ei = _add_self_loops(edge_index, num_nodes)
    h = _gcn_conv(x, ei, W1, b1, num_nodes)
    h = jax.nn.relu(h)
    # dropout is identity in eval mode
    h = _gcn_conv(h, ei, W2, b2, num_nodes)
    return h

if __name__ == "__main__":
    import jax
    _d = setup_inputs()
    print(jax.jit(kernel)(*tuple(_d.values())))

</pallas_src>

<mosaic_0001>
#map = affine_map<(d0, d1) -> (0, 0)>
#map1 = affine_map<(d0, d1) -> (0, 0, 0)>
module attributes {stable_mosaic.version = 14 : i64} {
  func.func @_agg_sc(%arg0: i32, %arg1: i32, %arg2: memref<20224x64xf32, #tpu.memory_space<hbm>>, %arg3: memref<5120x128xi32, #tpu.memory_space<hbm>>, %arg4: memref<2560x128xi32, #tpu.memory_space<hbm>>, %arg5: memref<10112x64xf32, #tpu.memory_space<hbm>>, %arg6: memref<2x10112x64xf32, #tpu.memory_space<hbm>>, %arg7: memref<10112x64xf32, #tpu.memory_space<vmem_shared>>, %arg8: memref<160x128xi32, #tpu.memory_space<vmem>>, %arg9: memref<160x128xi32, #tpu.memory_space<vmem>>, %arg10: memref<128x64xf32, #tpu.memory_space<vmem>>, %arg11: memref<128x64xf32, #tpu.memory_space<vmem>>, %arg12: memref<128x64xf32, #tpu.memory_space<vmem>>, %arg13: memref<128x64xf32, #tpu.memory_space<vmem>>, %arg14: memref<!tpu.dma_semaphore, #tpu.memory_space<semaphore_mem>>, %arg15: memref<!tpu.dma_semaphore, #tpu.memory_space<semaphore_mem>>, %arg16: memref<!tpu.dma_semaphore, #tpu.memory_space<semaphore_mem>>, %arg17: memref<!tpu.dma_semaphore, #tpu.memory_space<semaphore_mem>>) attributes {dimension_semantics = [#tpu.dimension_semantics<core_parallel>, #tpu.dimension_semantics<subcore_parallel>], iteration_bounds = array<i64: 2, 16>, scalar_prefetch = 0 : i64, scratch_operands = 11 : i64, tpu.core_type = #tpu.core_type<sc_vector_subcore>, window_params = [{transform_indices = #map}, {transform_indices = #map}, {transform_indices = #map}, {transform_indices = #map}, {transform_indices = #map1}]} {
    %mul3A = arith.constant 632 : i32
    %mul3A_0 = arith.muli %arg1, %mul3A : i32
    "tpu.region"() ({
      %run_scoped3A = tpu.sem_alloc : memref<!tpu.dma_semaphore, #tpu.memory_space<semaphore_mem>>
      %dma_start3A_32 = arith.constant 0 : i32
      %dma_start3A_33 = tpu.memref_slice %arg7[%mul3A_0, %dma_start3A_32] : memref<10112x64xf32, #tpu.memory_space<vmem_shared>> -> memref<632x64xf32, #tpu.memory_space<vmem_shared>>
      %dma_start3A_34 = arith.constant 0 : i32
      %dma_start3A_35 = tpu.memref_slice %arg5[%mul3A_0, %dma_start3A_34] : memref<10112x64xf32, #tpu.memory_space<hbm>> -> memref<632x64xf32, #tpu.memory_space<hbm>>
      tpu.enqueue_dma source(%dma_start3A_35 : memref<632x64xf32, #tpu.memory_space<hbm>>) target(%dma_start3A_33 : memref<632x64xf32, #tpu.memory_space<vmem_shared>>) target_semaphore(%run_scoped3A : memref<!tpu.dma_semaphore, #tpu.memory_space<semaphore_mem>>)
      %dma_wait3A = arith.constant 0 : i32
      %dma_wait3A_36 = tpu.memref_slice %arg7[%mul3A_0, %dma_wait3A] : memref<10112x64xf32, #tpu.memory_space<vmem_shared>> -> memref<632x64xf32, #tpu.memory_space<vmem_shared>>
      %dma_wait3A_37 = arith.constant 0 : i32
      %dma_wait3A_38 = tpu.memref_slice %arg5[%mul3A_0, %dma_wait3A_37] : memref<10112x64xf32, #tpu.memory_space<hbm>> -> memref<632x64xf32, #tpu.memory_space<hbm>>
      tpu.wait_dma2 semaphore(%run_scoped3A : memref<!tpu.dma_semaphore, #tpu.memory_space<semaphore_mem>>) src(%dma_wait3A_38 : memref<632x64xf32, #tpu.memory_space<hbm>>) dst(%dma_wait3A_36 : memref<632x64xf32, #tpu.memory_space<vmem_shared>>)
      tpu.yield
    }) : () -> ()
    %mul3A_1 = arith.constant 16 : i32
    %mul3A_2 = arith.muli %arg0, %mul3A_1 : i32
    %add3A = arith.addi %mul3A_2, %arg1 : i32
    %mul3A_3 = arith.constant 160 : i32
    %mul3A_4 = arith.muli %add3A, %mul3A_3 : i32
    "tpu.region"() ({
      %run_scoped3A = tpu.sem_alloc : memref<!tpu.dma_semaphore, #tpu.memory_space<semaphore_mem>>
      %dma_start3A_32 = arith.constant 0 : i32
      %dma_start3A_33 = tpu.memref_slice %arg3[%mul3A_4, %dma_start3A_32] : memref<5120x128xi32, #tpu.memory_space<hbm>> -> memref<160x128xi32, #tpu.memory_space<hbm>>
      %dma_start3A_34 = arith.constant 0 : i32
      %dma_start3A_35 = tpu.memref_slice %arg3[%mul3A_4, %dma_start3A_34] : memref<5120x128xi32, #tpu.memory_space<hbm>> -> memref<160x128xi32, #tpu.memory_space<hbm>>
      tpu.enqueue_dma source(%dma_start3A_35 : memref<160x128xi32, #tpu.memory_space<hbm>>) target(%arg8 : memref<160x128xi32, #tpu.memory_space<vmem>>) target_semaphore(%run_scoped3A : memref<!tpu.dma_semaphore, #tpu.memory_space<semaphore_mem>>)
      %dma_wait3A = arith.constant 0 : i32
      %dma_wait3A_36 = tpu.memref_slice %arg3[%mul3A_4, %dma_wait3A] : memref<5120x128xi32, #tpu.memory_space<hbm>> -> memref<160x128xi32, #tpu.memory_space<hbm>>
      %dma_wait3A_37 = arith.constant 0 : i32
      %dma_wait3A_38 = tpu.memref_slice %arg3[%mul3A_4, %dma_wait3A_37] : memref<5120x128xi32, #tpu.memory_space<hbm>> -> memref<160x128xi32, #tpu.memory_space<hbm>>
      tpu.wait_dma2 semaphore(%run_scoped3A : memref<!tpu.dma_semaphore, #tpu.memory_space<semaphore_mem>>) src(%dma_wait3A_38 : memref<160x128xi32, #tpu.memory_space<hbm>>) dst(%arg8 : memref<160x128xi32, #tpu.memory_space<vmem>>)
      tpu.yield
    }) : () -> ()
    %mul3A_5 = arith.constant 160 : i32
    %mul3A_6 = arith.muli %arg1, %mul3A_5 : i32
    "tpu.region"() ({
      %run_scoped3A = tpu.sem_alloc : memref<!tpu.dma_semaphore, #tpu.memory_space<semaphore_mem>>
      %dma_start3A_32 = arith.constant 0 : i32
      %dma_start3A_33 = tpu.memref_slice %arg4[%mul3A_6, %dma_start3A_32] : memref<2560x128xi32, #tpu.memory_space<hbm>> -> memref<160x128xi32, #tpu.memory_space<hbm>>
      %dma_start3A_34 = arith.constant 0 : i32
      %dma_start3A_35 = tpu.memref_slice %arg4[%mul3A_6, %dma_start3A_34] : memref<2560x128xi32, #tpu.memory_space<hbm>> -> memref<160x128xi32, #tpu.memory_space<hbm>>
      tpu.enqueue_dma source(%dma_start3A_35 : memref<160x128xi32, #tpu.memory_space<hbm>>) target(%arg9 : memref<160x128xi32, #tpu.memory_space<vmem>>) target_semaphore(%run_scoped3A : memref<!tpu.dma_semaphore, #tpu.memory_space<semaphore_mem>>)
      %dma_wait3A = arith.constant 0 : i32
      %dma_wait3A_36 = tpu.memref_slice %arg4[%mul3A_6, %dma_wait3A] : memref<2560x128xi32, #tpu.memory_space<hbm>> -> memref<160x128xi32, #tpu.memory_space<hbm>>
      %dma_wait3A_37 = arith.constant 0 : i32
      %dma_wait3A_38 = tpu.memref_slice %arg4[%mul3A_6, %dma_wait3A_37] : memref<2560x128xi32, #tpu.memory_space<hbm>> -> memref<160x128xi32, #tpu.memory_space<hbm>>
      tpu.wait_dma2 semaphore(%run_scoped3A : memref<!tpu.dma_semaphore, #tpu.memory_space<semaphore_mem>>) src(%dma_wait3A_38 : memref<160x128xi32, #tpu.memory_space<hbm>>) dst(%arg9 : memref<160x128xi32, #tpu.memory_space<vmem>>)
      tpu.yield
    }) : () -> ()
    %barrier3A = arith.constant 0 : index
    tpu.barrier barrier_id(%barrier3A)
    %dma_start3A = arith.constant 0 : i32
    %dma_start3A_7 = arith.constant 0 : i32
    %dma_start3A_8 = tpu.memref_slice %arg8[%dma_start3A, %dma_start3A_7] : memref<160x128xi32, #tpu.memory_space<vmem>> -> memref<1x128xi32, #tpu.memory_space<vmem>>
    %dma_start3A_9 = tpu.memref_squeeze %dma_start3A_8 : memref<1x128xi32, #tpu.memory_space<vmem>> -> memref<128xi32, #tpu.memory_space<vmem>>
    %dma_start3A_10 = arith.constant 0 : i32
    %dma_start3A_11 = arith.constant 0 : i32
    %dma_start3A_12 = tpu.memref_slice %arg2[%dma_start3A_10, %dma_start3A_11] : memref<20224x64xf32, #tpu.memory_space<hbm>> -> memref<20224x64xf32, #tpu.memory_space<hbm>>
    tpu.enqueue_indirect_dma source(%dma_start3A_12 : memref<20224x64xf32, #tpu.memory_space<hbm>>) target(%arg10 : memref<128x64xf32, #tpu.memory_space<vmem>>) offsets(%dma_start3A_9 : memref<128xi32, #tpu.memory_space<vmem>>) semaphore(%arg14 : memref<!tpu.dma_semaphore, #tpu.memory_space<semaphore_mem>>)
    %dma_start3A_13 = arith.constant 1 : i32
    %dma_start3A_14 = arith.constant 0 : i32
    %dma_start3A_15 = tpu.memref_slice %arg8[%dma_start3A_13, %dma_start3A_14] : memref<160x128xi32, #tpu.memory_space<vmem>> -> memref<1x128xi32, #tpu.memory_space<vmem>>
    %dma_start3A_16 = tpu.memref_squeeze %dma_start3A_15 : memref<1x128xi32, #tpu.memory_space<vmem>> -> memref<128xi32, #tpu.memory_space<vmem>>
    %dma_start3A_17 = arith.constant 0 : i32
    %dma_start3A_18 = arith.constant 0 : i32
    %dma_start3A_19 = tpu.memref_slice %arg2[%dma_start3A_17, %dma_start3A_18] : memref<20224x64xf32, #tpu.memory_space<hbm>> -> memref<20224x64xf32, #tpu.memory_space<hbm>>
    tpu.enqueue_indirect_dma source(%dma_start3A_19 : memref<20224x64xf32, #tpu.memory_space<hbm>>) target(%arg11 : memref<128x64xf32, #tpu.memory_space<vmem>>) offsets(%dma_start3A_16 : memref<128xi32, #tpu.memory_space<vmem>>) semaphore(%arg15 : memref<!tpu.dma_semaphore, #tpu.memory_space<semaphore_mem>>)
    %dma_start3A_20 = arith.constant 2 : i32
    %dma_start3A_21 = arith.constant 0 : i32
    %dma_start3A_22 = tpu.memref_slice %arg8[%dma_start3A_20, %dma_start3A_21] : memref<160x128xi32, #tpu.memory_space<vmem>> -> memref<1x128xi32, #tpu.memory_space<vmem>>
    %dma_start3A_23 = tpu.memref_squeeze %dma_start3A_22 : memref<1x128xi32, #tpu.memory_space<vmem>> -> memref<128xi32, #tpu.memory_space<vmem>>
    %dma_start3A_24 = arith.constant 0 : i32
    %dma_start3A_25 = arith.constant 0 : i32
    %dma_start3A_26 = tpu.memref_slice %arg2[%dma_start3A_24, %dma_start3A_25] : memref<20224x64xf32, #tpu.memory_space<hbm>> -> memref<20224x64xf32, #tpu.memory_space<hbm>>
    tpu.enqueue_indirect_dma source(%dma_start3A_26 : memref<20224x64xf32, #tpu.memory_space<hbm>>) target(%arg12 : memref<128x64xf32, #tpu.memory_space<vmem>>) offsets(%dma_start3A_23 : memref<128xi32, #tpu.memory_space<vmem>>) semaphore(%arg16 : memref<!tpu.dma_semaphore, #tpu.memory_space<semaphore_mem>>)
    %scan3A = arith.constant 0 : i32
    %scan3A_27 = arith.constant 40 : i32
    %scan3A_28 = arith.addi %scan3A, %scan3A_27 : i32
    %scan3A_29 = arith.constant 1 : i32
    scf.for %scan3A_32 = %scan3A to %scan3A_28 step %scan3A_29  : i32 {
      %mul3A_33 = arith.constant 1 : i32
      %mul3A_34 = arith.muli %scan3A_32, %mul3A_33 : i32
      %add3A_35 = arith.constant 0 : i32
      %add3A_36 = arith.addi %add3A_35, %mul3A_34 : i32
      %mul3A_37 = arith.constant 4 : i32
      %mul3A_38 = arith.muli %add3A_36, %mul3A_37 : i32
      %add3A_39 = arith.constant 0 : i32
      %add3A_40 = arith.addi %mul3A_38, %add3A_39 : i32
      %add3A_41 = arith.constant 4 : i32
      %add3A_42 = arith.addi %add3A_40, %add3A_41 : i32
      %sub3A = arith.constant 1 : i32
      %sub3A_43 = arith.subi %add3A_42, %sub3A : i32
      %lt3A = arith.constant 160 : i32
      %lt3A_44 = arith.cmpi slt, %sub3A_43, %lt3A : i32
      %convert_element_type3A = arith.extui %lt3A_44 : i1 to i32
      %cond3A = arith.constant 0 : i32
      %cond3A_45 = arith.cmpi ne, %convert_element_type3A, %cond3A : i32
      scf.if %cond3A_45 {
        %add3A_102 = arith.constant 4 : i32
        %add3A_103 = arith.addi %add3A_40, %add3A_102 : i32
        %sub3A_104 = arith.constant 1 : i32
        %sub3A_105 = arith.subi %add3A_103, %sub3A_104 : i32
        %dma_start3A_106 = arith.constant 0 : i32
        %dma_start3A_107 = tpu.memref_slice %arg8[%sub3A_105, %dma_start3A_106] : memref<160x128xi32, #tpu.memory_space<vmem>> -> memref<1x128xi32, #tpu.memory_space<vmem>>
        %dma_start3A_108 = tpu.memref_squeeze %dma_start3A_107 : memref<1x128xi32, #tpu.memory_space<vmem>> -> memref<128xi32, #tpu.memory_space<vmem>>
        %dma_start3A_109 = arith.constant 0 : i32
        %dma_start3A_110 = arith.constant 0 : i32
        %dma_start3A_111 = tpu.memref_slice %arg2[%dma_start3A_109, %dma_start3A_110] : memref<20224x64xf32, #tpu.memory_space<hbm>> -> memref<20224x64xf32, #tpu.memory_space<hbm>>
        tpu.enqueue_indirect_dma source(%dma_start3A_111 : memref<20224x64xf32, #tpu.memory_space<hbm>>) target(%arg13 : memref<128x64xf32, #tpu.memory_space<vmem>>) offsets(%dma_start3A_108 : memref<128xi32, #tpu.memory_space<vmem>>) semaphore(%arg17 : memref<!tpu.dma_semaphore, #tpu.memory_space<semaphore_mem>>)
      } else {
      }
      %dma_wait3A = arith.constant 0 : i32
      %dma_wait3A_46 = tpu.memref_slice %arg8[%add3A_40, %dma_wait3A] : memref<160x128xi32, #tpu.memory_space<vmem>> -> memref<1x128xi32, #tpu.memory_space<vmem>>
      %dma_wait3A_47 = tpu.memref_squeeze %dma_wait3A_46 : memref<1x128xi32, #tpu.memory_space<vmem>> -> memref<128xi32, #tpu.memory_space<vmem>>
      %dma_wait3A_48 = arith.constant 0 : i32
      %dma_wait3A_49 = arith.constant 0 : i32
      %dma_wait3A_50 = tpu.memref_slice %arg2[%dma_wait3A_48, %dma_wait3A_49] : memref<20224x64xf32, #tpu.memory_space<hbm>> -> memref<20224x64xf32, #tpu.memory_space<hbm>>
      tpu.wait_indirect_dma semaphore(%arg14 : memref<!tpu.dma_semaphore, #tpu.memory_space<semaphore_mem>>) src(%dma_wait3A_50 : memref<20224x64xf32, #tpu.memory_space<hbm>>) dst(%arg10 : memref<128x64xf32, #tpu.memory_space<vmem>>)
      "tpu.region"() ({
        %run_scoped3A = tpu.sem_alloc : memref<!tpu.dma_semaphore, #tpu.memory_space<semaphore_mem>>
        %dma_start3A_102 = arith.constant 0 : i32
        %dma_start3A_103 = tpu.memref_slice %arg9[%add3A_40, %dma_start3A_102] : memref<160x128xi32, #tpu.memory_space<vmem>> -> memref<1x128xi32, #tpu.memory_space<vmem>>
        %dma_start3A_104 = tpu.memref_squeeze %dma_start3A_103 : memref<1x128xi32, #tpu.memory_space<vmem>> -> memref<128xi32, #tpu.memory_space<vmem>>
        %dma_start3A_105 = arith.constant 0 : i32
        %dma_start3A_106 = arith.constant 0 : i32
        %dma_start3A_107 = tpu.memref_slice %arg7[%dma_start3A_105, %dma_start3A_106] : memref<10112x64xf32, #tpu.memory_space<vmem_shared>> -> memref<10112x64xf32, #tpu.memory_space<vmem_shared>>
        tpu.enqueue_indirect_dma source(%arg10 : memref<128x64xf32, #tpu.memory_space<vmem>>) target(%dma_start3A_107 : memref<10112x64xf32, #tpu.memory_space<vmem_shared>>) offsets(%dma_start3A_104 : memref<128xi32, #tpu.memory_space<vmem>>) semaphore(%run_scoped3A : memref<!tpu.dma_semaphore, #tpu.memory_space<semaphore_mem>>) {add = true}
        %dma_wait3A_108 = arith.constant 0 : i32
        %dma_wait3A_109 = tpu.memref_slice %arg9[%add3A_40, %dma_wait3A_108] : memref<160x128xi32, #tpu.memory_space<vmem>> -> memref<1x128xi32, #tpu.memory_space<vmem>>
        %dma_wait3A_110 = tpu.memref_squeeze %dma_wait3A_109 : memref<1x128xi32, #tpu.memory_space<vmem>> -> memref<128xi32, #tpu.memory_space<vmem>>
        %dma_wait3A_111 = arith.constant 0 : i32
        %dma_wait3A_112 = arith.constant 0 : i32
        %dma_wait3A_113 = tpu.memref_slice %arg7[%dma_wait3A_111, %dma_wait3A_112] : memref<10112x64xf32, #tpu.memory_space<vmem_shared>> -> memref<10112x64xf32, #tpu.memory_space<vmem_shared>>
        tpu.wait_indirect_dma semaphore(%run_scoped3A : memref<!tpu.dma_semaphore, #tpu.memory_space<semaphore_mem>>) src(%arg10 : memref<128x64xf32, #tpu.memory_space<vmem>>) dst(%dma_wait3A_113 : memref<10112x64xf32, #tpu.memory_space<vmem_shared>>)
        tpu.yield
      }) : () -> ()
      %add3A_51 = arith.constant 1 : i32
      %add3A_52 = arith.addi %mul3A_38, %add3A_51 : i32
      %add3A_53 = arith.constant 4 : i32
      %add3A_54 = arith.addi %add3A_52, %add3A_53 : i32
      %sub3A_55 = arith.constant 1 : i32
      %sub3A_56 = arith.subi %add3A_54, %sub3A_55 : i32
      %lt3A_57 = arith.constant 160 : i32
      %lt3A_58 = arith.cmpi slt, %sub3A_56, %lt3A_57 : i32
      %convert_element_type3A_59 = arith.extui %lt3A_58 : i1 to i32
      %cond3A_60 = arith.constant 0 : i32
      %cond3A_61 = arith.cmpi ne, %convert_element_type3A_59, %cond3A_60 : i32
      scf.if %cond3A_61 {
        %add3A_102 = arith.constant 4 : i32
        %add3A_103 = arith.addi %add3A_52, %add3A_102 : i32
        %sub3A_104 = arith.constant 1 : i32
        %sub3A_105 = arith.subi %add3A_103, %sub3A_104 : i32
        %dma_start3A_106 = arith.constant 0 : i32
        %dma_start3A_107 = tpu.memref_slice %arg8[%sub3A_105, %dma_start3A_106] : memref<160x128xi32, #tpu.memory_space<vmem>> -> memref<1x128xi32, #tpu.memory_space<vmem>>
        %dma_start3A_108 = tpu.memref_squeeze %dma_start3A_107 : memref<1x128xi32, #tpu.memory_space<vmem>> -> memref<128xi32, #tpu.memory_space<vmem>>
        %dma_start3A_109 = arith.constant 0 : i32
        %dma_start3A_110 = arith.constant 0 : i32
        %dma_start3A_111 = tpu.memref_slice %arg2[%dma_start3A_109, %dma_start3A_110] : memref<20224x64xf32, #tpu.memory_space<hbm>> -> memref<20224x64xf32, #tpu.memory_space<hbm>>
        tpu.enqueue_indirect_dma source(%dma_start3A_111 : memref<20224x64xf32, #tpu.memory_space<hbm>>) target(%arg10 : memref<128x64xf32, #tpu.memory_space<vmem>>) offsets(%dma_start3A_108 : memref<128xi32, #tpu.memory_space<vmem>>) semaphore(%arg14 : memref<!tpu.dma_semaphore, #tpu.memory_space<semaphore_mem>>)
      } else {
      }
      %dma_wait3A_62 = arith.constant 0 : i32
      %dma_wait3A_63 = tpu.memref_slice %arg8[%add3A_52, %dma_wait3A_62] : memref<160x128xi32, #tpu.memory_space<vmem>> -> memref<1x128xi32, #tpu.memory_space<vmem>>
      %dma_wait3A_64 = tpu.memref_squeeze %dma_wait3A_63 : memref<1x128xi32, #tpu.memory_space<vmem>> -> memref<128xi32, #tpu.memory_space<vmem>>
      %dma_wait3A_65 = arith.constant 0 : i32
      %dma_wait3A_66 = arith.constant 0 : i32
      %dma_wait3A_67 = tpu.memref_slice %arg2[%dma_wait3A_65, %dma_wait3A_66] : memref<20224x64xf32, #tpu.memory_space<hbm>> -> memref<20224x64xf32, #tpu.memory_space<hbm>>
      tpu.wait_indirect_dma semaphore(%arg15 : memref<!tpu.dma_semaphore, #tpu.memory_space<semaphore_mem>>) src(%dma_wait3A_67 : memref<20224x64xf32, #tpu.memory_space<hbm>>) dst(%arg11 : memref<128x64xf32, #tpu.memory_space<vmem>>)
      "tpu.region"() ({
        %run_scoped3A = tpu.sem_alloc : memref<!tpu.dma_semaphore, #tpu.memory_space<semaphore_mem>>
        %dma_start3A_102 = arith.constant 0 : i32
        %dma_start3A_103 = tpu.memref_slice %arg9[%add3A_52, %dma_start3A_102] : memref<160x128xi32, #tpu.memory_space<vmem>> -> memref<1x128xi32, #tpu.memory_space<vmem>>
        %dma_start3A_104 = tpu.memref_squeeze %dma_start3A_103 : memref<1x128xi32, #tpu.memory_space<vmem>> -> memref<128xi32, #tpu.memory_space<vmem>>
        %dma_start3A_105 = arith.constant 0 : i32
        %dma_start3A_106 = arith.constant 0 : i32
        %dma_start3A_107 = tpu.memref_slice %arg7[%dma_start3A_105, %dma_start3A_106] : memref<10112x64xf32, #tpu.memory_space<vmem_shared>> -> memref<10112x64xf32, #tpu.memory_space<vmem_shared>>
        tpu.enqueue_indirect_dma source(%arg11 : memref<128x64xf32, #tpu.memory_space<vmem>>) target(%dma_start3A_107 : memref<10112x64xf32, #tpu.memory_space<vmem_shared>>) offsets(%dma_start3A_104 : memref<128xi32, #tpu.memory_space<vmem>>) semaphore(%run_scoped3A : memref<!tpu.dma_semaphore, #tpu.memory_space<semaphore_mem>>) {add = true}
        %dma_wait3A_108 = arith.constant 0 : i32
        %dma_wait3A_109 = tpu.memref_slice %arg9[%add3A_52, %dma_wait3A_108] : memref<160x128xi32, #tpu.memory_space<vmem>> -> memref<1x128xi32, #tpu.memory_space<vmem>>
        %dma_wait3A_110 = tpu.memref_squeeze %dma_wait3A_109 : memref<1x128xi32, #tpu.memory_space<vmem>> -> memref<128xi32, #tpu.memory_space<vmem>>
        %dma_wait3A_111 = arith.constant 0 : i32
        %dma_wait3A_112 = arith.constant 0 : i32
        %dma_wait3A_113 = tpu.memref_slice %arg7[%dma_wait3A_111, %dma_wait3A_112] : memref<10112x64xf32, #tpu.memory_space<vmem_shared>> -> memref<10112x64xf32, #tpu.memory_space<vmem_shared>>
        tpu.wait_indirect_dma semaphore(%run_scoped3A : memref<!tpu.dma_semaphore, #tpu.memory_space<semaphore_mem>>) src(%arg11 : memref<128x64xf32, #tpu.memory_space<vmem>>) dst(%dma_wait3A_113 : memref<10112x64xf32, #tpu.memory_space<vmem_shared>>)
        tpu.yield
      }) : () -> ()
      %add3A_68 = arith.constant 2 : i32
      %add3A_69 = arith.addi %mul3A_38, %add3A_68 : i32
      %add3A_70 = arith.constant 4 : i32
      %add3A_71 = arith.addi %add3A_69, %add3A_70 : i32
      %sub3A_72 = arith.constant 1 : i32
      %sub3A_73 = arith.subi %add3A_71, %sub3A_72 : i32
      %lt3A_74 = arith.constant 160 : i32
      %lt3A_75 = arith.cmpi slt, %sub3A_73, %lt3A_74 : i32
      %convert_element_type3A_76 = arith.extui %lt3A_75 : i1 to i32
      %cond3A_77 = arith.constant 0 : i32
      %cond3A_78 = arith.cmpi ne, %convert_element_type3A_76, %cond3A_77 : i32
      scf.if %cond3A_78 {
        %add3A_102 = arith.constant 4 : i32
        %add3A_103 = arith.addi %add3A_69, %add3A_102 : i32
        %sub3A_104 = arith.constant 1 : i32
        %sub3A_105 = arith.subi %add3A_103, %sub3A_104 : i32
        %dma_start3A_106 = arith.constant 0 : i32
        %dma_start3A_107 = tpu.memref_slice %arg8[%sub3A_105, %dma_start3A_106] : memref<160x128xi32, #tpu.memory_space<vmem>> -> memref<1x128xi32, #tpu.memory_space<vmem>>
        %dma_start3A_108 = tpu.memref_squeeze %dma_start3A_107 : memref<1x128xi32, #tpu.memory_space<vmem>> -> memref<128xi32, #tpu.memory_space<vmem>>
        %dma_start3A_109 = arith.constant 0 : i32
        %dma_start3A_110 = arith.constant 0 : i32
        %dma_start3A_111 = tpu.memref_slice %arg2[%dma_start3A_109, %dma_start3A_110] : memref<20224x64xf32, #tpu.memory_space<hbm>> -> memref<20224x64xf32, #tpu.memory_space<hbm>>
        tpu.enqueue_indirect_dma source(%dma_start3A_111 : memref<20224x64xf32, #tpu.memory_space<hbm>>) target(%arg11 : memref<128x64xf32, #tpu.memory_space<vmem>>) offsets(%dma_start3A_108 : memref<128xi32, #tpu.memory_space<vmem>>) semaphore(%arg15 : memref<!tpu.dma_semaphore, #tpu.memory_space<semaphore_mem>>)
      } else {
      }
      %dma_wait3A_79 = arith.constant 0 : i32
      %dma_wait3A_80 = tpu.memref_slice %arg8[%add3A_69, %dma_wait3A_79] : memref<160x128xi32, #tpu.memory_space<vmem>> -> memref<1x128xi32, #tpu.memory_space<vmem>>
      %dma_wait3A_81 = tpu.memref_squeeze %dma_wait3A_80 : memref<1x128xi32, #tpu.memory_space<vmem>> -> memref<128xi32, #tpu.memory_space<vmem>>
      %dma_wait3A_82 = arith.constant 0 : i32
      %dma_wait3A_83 = arith.constant 0 : i32
      %dma_wait3A_84 = tpu.memref_slice %arg2[%dma_wait3A_82, %dma_wait3A_83] : memref<20224x64xf32, #tpu.memory_space<hbm>> -> memref<20224x64xf32, #tpu.memory_space<hbm>>
      tpu.wait_indirect_dma semaphore(%arg16 : memref<!tpu.dma_semaphore, #tpu.memory_space<semaphore_mem>>) src(%dma_wait3A_84 : memref<20224x64xf32, #tpu.memory_space<hbm>>) dst(%arg12 : memref<128x64xf32, #tpu.memory_space<vmem>>)
      "tpu.region"() ({
        %run_scoped3A = tpu.sem_alloc : memref<!tpu.dma_semaphore, #tpu.memory_space<semaphore_mem>>
        %dma_start3A_102 = arith.constant 0 : i32
        %dma_start3A_103 = tpu.memref_slice %arg9[%add3A_69, %dma_start3A_102] : memref<160x128xi32, #tpu.memory_space<vmem>> -> memref<1x128xi32, #tpu.memory_space<vmem>>
        %dma_start3A_104 = tpu.memref_squeeze %dma_start3A_103 : memref<1x128xi32, #tpu.memory_space<vmem>> -> memref<128xi32, #tpu.memory_space<vmem>>
        %dma_start3A_105 = arith.constant 0 : i32
        %dma_start3A_106 = arith.constant 0 : i32
        %dma_start3A_107 = tpu.memref_slice %arg7[%dma_start3A_105, %dma_start3A_106] : memref<10112x64xf32, #tpu.memory_space<vmem_shared>> -> memref<10112x64xf32, #tpu.memory_space<vmem_shared>>
        tpu.enqueue_indirect_dma source(%arg12 : memref<128x64xf32, #tpu.memory_space<vmem>>) target(%dma_start3A_107 : memref<10112x64xf32, #tpu.memory_space<vmem_shared>>) offsets(%dma_start3A_104 : memref<128xi32, #tpu.memory_space<vmem>>) semaphore(%run_scoped3A : memref<!tpu.dma_semaphore, #tpu.memory_space<semaphore_mem>>) {add = true}
        %dma_wait3A_108 = arith.constant 0 : i32
        %dma_wait3A_109 = tpu.memref_slice %arg9[%add3A_69, %dma_wait3A_108] : memref<160x128xi32, #tpu.memory_space<vmem>> -> memref<1x128xi32, #tpu.memory_space<vmem>>
        %dma_wait3A_110 = tpu.memref_squeeze %dma_wait3A_109 : memref<1x128xi32, #tpu.memory_space<vmem>> -> memref<128xi32, #tpu.memory_space<vmem>>
        %dma_wait3A_111 = arith.constant 0 : i32
        %dma_wait3A_112 = arith.constant 0 : i32
        %dma_wait3A_113 = tpu.memref_slice %arg7[%dma_wait3A_111, %dma_wait3A_112] : memref<10112x64xf32, #tpu.memory_space<vmem_shared>> -> memref<10112x64xf32, #tpu.memory_space<vmem_shared>>
        tpu.wait_indirect_dma semaphore(%run_scoped3A : memref<!tpu.dma_semaphore, #tpu.memory_space<semaphore_mem>>) src(%arg12 : memref<128x64xf32, #tpu.memory_space<vmem>>) dst(%dma_wait3A_113 : memref<10112x64xf32, #tpu.memory_space<vmem_shared>>)
        tpu.yield
      }) : () -> ()
      %add3A_85 = arith.constant 3 : i32
      %add3A_86 = arith.addi %mul3A_38, %add3A_85 : i32
      %add3A_87 = arith.constant 4 : i32
      %add3A_88 = arith.addi %add3A_86, %add3A_87 : i32
      %sub3A_89 = arith.constant 1 : i32
      %sub3A_90 = arith.subi %add3A_88, %sub3A_89 : i32
      %lt3A_91 = arith.constant 160 : i32
      %lt3A_92 = arith.cmpi slt, %sub3A_90, %lt3A_91 : i32
      %convert_element_type3A_93 = arith.extui %lt3A_92 : i1 to i32
      %cond3A_94 = arith.constant 0 : i32
      %cond3A_95 = arith.cmpi ne, %convert_element_type3A_93, %cond3A_94 : i32
      scf.if %cond3A_95 {
        %add3A_102 = arith.constant 4 : i32
        %add3A_103 = arith.addi %add3A_86, %add3A_102 : i32
        %sub3A_104 = arith.constant 1 : i32
        %sub3A_105 = arith.subi %add3A_103, %sub3A_104 : i32
        %dma_start3A_106 = arith.constant 0 : i32
        %dma_start3A_107 = tpu.memref_slice %arg8[%sub3A_105, %dma_start3A_106] : memref<160x128xi32, #tpu.memory_space<vmem>> -> memref<1x128xi32, #tpu.memory_space<vmem>>
        %dma_start3A_108 = tpu.memref_squeeze %dma_start3A_107 : memref<1x128xi32, #tpu.memory_space<vmem>> -> memref<128xi32, #tpu.memory_space<vmem>>
        %dma_start3A_109 = arith.constant 0 : i32
        %dma_start3A_110 = arith.constant 0 : i32
        %dma_start3A_111 = tpu.memref_slice %arg2[%dma_start3A_109, %dma_start3A_110] : memref<20224x64xf32, #tpu.memory_space<hbm>> -> memref<20224x64xf32, #tpu.memory_space<hbm>>
        tpu.enqueue_indirect_dma source(%dma_start3A_111 : memref<20224x64xf32, #tpu.memory_space<hbm>>) target(%arg12 : memref<128x64xf32, #tpu.memory_space<vmem>>) offsets(%dma_start3A_108 : memref<128xi32, #tpu.memory_space<vmem>>) semaphore(%arg16 : memref<!tpu.dma_semaphore, #tpu.memory_space<semaphore_mem>>)
      } else {
      }
      %dma_wait3A_96 = arith.constant 0 : i32
      %dma_wait3A_97 = tpu.memref_slice %arg8[%add3A_86, %dma_wait3A_96] : memref<160x128xi32, #tpu.memory_space<vmem>> -> memref<1x128xi32, #tpu.memory_space<vmem>>
      %dma_wait3A_98 = tpu.memref_squeeze %dma_wait3A_97 : memref<1x128xi32, #tpu.memory_space<vmem>> -> memref<128xi32, #tpu.memory_space<vmem>>
      %dma_wait3A_99 = arith.constant 0 : i32
      %dma_wait3A_100 = arith.constant 0 : i32
      %dma_wait3A_101 = tpu.memref_slice %arg2[%dma_wait3A_99, %dma_wait3A_100] : memref<20224x64xf32, #tpu.memory_space<hbm>> -> memref<20224x64xf32, #tpu.memory_space<hbm>>
      tpu.wait_indirect_dma semaphore(%arg17 : memref<!tpu.dma_semaphore, #tpu.memory_space<semaphore_mem>>) src(%dma_wait3A_101 : memref<20224x64xf32, #tpu.memory_space<hbm>>) dst(%arg13 : memref<128x64xf32, #tpu.memory_space<vmem>>)
      "tpu.region"() ({
        %run_scoped3A = tpu.sem_alloc : memref<!tpu.dma_semaphore, #tpu.memory_space<semaphore_mem>>
        %dma_start3A_102 = arith.constant 0 : i32
        %dma_start3A_103 = tpu.memref_slice %arg9[%add3A_86, %dma_start3A_102] : memref<160x128xi32, #tpu.memory_space<vmem>> -> memref<1x128xi32, #tpu.memory_space<vmem>>
        %dma_start3A_104 = tpu.memref_squeeze %dma_start3A_103 : memref<1x128xi32, #tpu.memory_space<vmem>> -> memref<128xi32, #tpu.memory_space<vmem>>
        %dma_start3A_105 = arith.constant 0 : i32
        %dma_start3A_106 = arith.constant 0 : i32
        %dma_start3A_107 = tpu.memref_slice %arg7[%dma_start3A_105, %dma_start3A_106] : memref<10112x64xf32, #tpu.memory_space<vmem_shared>> -> memref<10112x64xf32, #tpu.memory_space<vmem_shared>>
        tpu.enqueue_indirect_dma source(%arg13 : memref<128x64xf32, #tpu.memory_space<vmem>>) target(%dma_start3A_107 : memref<10112x64xf32, #tpu.memory_space<vmem_shared>>) offsets(%dma_start3A_104 : memref<128xi32, #tpu.memory_space<vmem>>) semaphore(%run_scoped3A : memref<!tpu.dma_semaphore, #tpu.memory_space<semaphore_mem>>) {add = true}
        %dma_wait3A_108 = arith.constant 0 : i32
        %dma_wait3A_109 = tpu.memref_slice %arg9[%add3A_86, %dma_wait3A_108] : memref<160x128xi32, #tpu.memory_space<vmem>> -> memref<1x128xi32, #tpu.memory_space<vmem>>
        %dma_wait3A_110 = tpu.memref_squeeze %dma_wait3A_109 : memref<1x128xi32, #tpu.memory_space<vmem>> -> memref<128xi32, #tpu.memory_space<vmem>>
        %dma_wait3A_111 = arith.constant 0 : i32
        %dma_wait3A_112 = arith.constant 0 : i32
        %dma_wait3A_113 = tpu.memref_slice %arg7[%dma_wait3A_111, %dma_wait3A_112] : memref<10112x64xf32, #tpu.memory_space<vmem_shared>> -> memref<10112x64xf32, #tpu.memory_space<vmem_shared>>
        tpu.wait_indirect_dma semaphore(%run_scoped3A : memref<!tpu.dma_semaphore, #tpu.memory_space<semaphore_mem>>) src(%arg13 : memref<128x64xf32, #tpu.memory_space<vmem>>) dst(%dma_wait3A_113 : memref<10112x64xf32, #tpu.memory_space<vmem_shared>>)
        tpu.yield
      }) : () -> ()
    }
    %scan3A_30 = arith.constant 40 : i32
    %barrier3A_31 = arith.constant 0 : index
    tpu.barrier barrier_id(%barrier3A_31)
    "tpu.region"() ({
      %run_scoped3A = tpu.sem_alloc : memref<!tpu.dma_semaphore, #tpu.memory_space<semaphore_mem>>
      %dma_start3A_32 = arith.constant 0 : i32
      %dma_start3A_33 = tpu.memref_slice %arg6[%arg0, %mul3A_0, %dma_start3A_32] : memref<2x10112x64xf32, #tpu.memory_space<hbm>> -> memref<1x632x64xf32, #tpu.memory_space<hbm>>
      %dma_start3A_34 = tpu.memref_squeeze %dma_start3A_33 : memref<1x632x64xf32, #tpu.memory_space<hbm>> -> memref<632x64xf32, #tpu.memory_space<hbm>>
      %dma_start3A_35 = arith.constant 0 : i32
      %dma_start3A_36 = tpu.memref_slice %arg7[%mul3A_0, %dma_start3A_35] : memref<10112x64xf32, #tpu.memory_space<vmem_shared>> -> memref<632x64xf32, #tpu.memory_space<vmem_shared>>
      tpu.enqueue_dma source(%dma_start3A_36 : memref<632x64xf32, #tpu.memory_space<vmem_shared>>) target(%dma_start3A_34 : memref<632x64xf32, #tpu.memory_space<hbm>>) target_semaphore(%run_scoped3A : memref<!tpu.dma_semaphore, #tpu.memory_space<semaphore_mem>>)
      %dma_wait3A = arith.constant 0 : i32
      %dma_wait3A_37 = tpu.memref_slice %arg6[%arg0, %mul3A_0, %dma_wait3A] : memref<2x10112x64xf32, #tpu.memory_space<hbm>> -> memref<1x632x64xf32, #tpu.memory_space<hbm>>
      %dma_wait3A_38 = tpu.memref_squeeze %dma_wait3A_37 : memref<1x632x64xf32, #tpu.memory_space<hbm>> -> memref<632x64xf32, #tpu.memory_space<hbm>>
      %dma_wait3A_39 = arith.constant 0 : i32
      %dma_wait3A_40 = tpu.memref_slice %arg7[%mul3A_0, %dma_wait3A_39] : memref<10112x64xf32, #tpu.memory_space<vmem_shared>> -> memref<632x64xf32, #tpu.memory_space<vmem_shared>>
      tpu.wait_dma2 semaphore(%run_scoped3A : memref<!tpu.dma_semaphore, #tpu.memory_space<semaphore_mem>>) src(%dma_wait3A_40 : memref<632x64xf32, #tpu.memory_space<vmem_shared>>) dst(%dma_wait3A_38 : memref<632x64xf32, #tpu.memory_space<hbm>>)
      tpu.yield
    }) : () -> ()
    return
  }
}

#map = affine_map<(d0, d1) -> (0, 0)>
#map1 = affine_map<(d0, d1) -> (0, 0, 0)>
module attributes {stable_mosaic.version = 14 : i64} {
  func.func @_deg_sc(%arg0: i32, %arg1: i32, %arg2: memref<2560x128xi32, #tpu.memory_space<hbm>>, %arg3: memref<128x128xf32, #tpu.memory_space<hbm>>, %arg4: memref<10112x128xf32, #tpu.memory_space<hbm>>, %arg5: memref<2x10112x128xf32, #tpu.memory_space<hbm>>, %arg6: memref<10112x128xf32, #tpu.memory_space<vmem_shared>>, %arg7: memref<40x128xi32, #tpu.memory_space<vmem>>, %arg8: memref<128x128xf32, #tpu.memory_space<vmem>>) attributes {dimension_semantics = [#tpu.dimension_semantics<core_parallel>, #tpu.dimension_semantics<subcore_parallel>], iteration_bounds = array<i64: 2, 16>, scalar_prefetch = 0 : i64, scratch_operands = 3 : i64, tpu.core_type = #tpu.core_type<sc_vector_subcore>, window_params = [{transform_indices = #map}, {transform_indices = #map}, {transform_indices = #map}, {transform_indices = #map1}]} {
    %mul3A = arith.constant 2 : i32
    %mul3A_0 = arith.muli %arg1, %mul3A : i32
    %add3A = arith.addi %mul3A_0, %arg0 : i32
    %mul3A_1 = arith.constant 632 : i32
    %mul3A_2 = arith.muli %arg1, %mul3A_1 : i32
    %mul3A_3 = arith.constant 632 : i32
    %mul3A_4 = arith.muli %arg1, %mul3A_3 : i32
    "tpu.region"() ({
      %run_scoped3A = tpu.sem_alloc : memref<!tpu.dma_semaphore, #tpu.memory_space<semaphore_mem>>
      %dma_start3A = arith.constant 0 : i32
      %dma_start3A_27 = tpu.memref_slice %arg6[%mul3A_4, %dma_start3A] : memref<10112x128xf32, #tpu.memory_space<vmem_shared>> -> memref<632x128xf32, #tpu.memory_space<vmem_shared>>
      %dma_start3A_28 = arith.constant 0 : i32
      %dma_start3A_29 = tpu.memref_slice %arg4[%mul3A_2, %dma_start3A_28] : memref<10112x128xf32, #tpu.memory_space<hbm>> -> memref<632x128xf32, #tpu.memory_space<hbm>>
      tpu.enqueue_dma source(%dma_start3A_29 : memref<632x128xf32, #tpu.memory_space<hbm>>) target(%dma_start3A_27 : memref<632x128xf32, #tpu.memory_space<vmem_shared>>) target_semaphore(%run_scoped3A : memref<!tpu.dma_semaphore, #tpu.memory_space<semaphore_mem>>)
      %dma_wait3A = arith.constant 0 : i32
      %dma_wait3A_30 = tpu.memref_slice %arg6[%mul3A_4, %dma_wait3A] : memref<10112x128xf32, #tpu.memory_space<vmem_shared>> -> memref<632x128xf32, #tpu.memory_space<vmem_shared>>
      %dma_wait3A_31 = arith.constant 0 : i32
      %dma_wait3A_32 = tpu.memref_slice %arg4[%mul3A_2, %dma_wait3A_31] : memref<10112x128xf32, #tpu.memory_space<hbm>> -> memref<632x128xf32, #tpu.memory_space<hbm>>
      tpu.wait_dma2 semaphore(%run_scoped3A : memref<!tpu.dma_semaphore, #tpu.memory_space<semaphore_mem>>) src(%dma_wait3A_32 : memref<632x128xf32, #tpu.memory_space<hbm>>) dst(%dma_wait3A_30 : memref<632x128xf32, #tpu.memory_space<vmem_shared>>)
      tpu.yield
    }) : () -> ()
    "tpu.region"() ({
      %run_scoped3A = tpu.sem_alloc : memref<!tpu.dma_semaphore, #tpu.memory_space<semaphore_mem>>
      tpu.enqueue_dma source(%arg3 : memref<128x128xf32, #tpu.memory_space<hbm>>) target(%arg8 : memref<128x128xf32, #tpu.memory_space<vmem>>) target_semaphore(%run_scoped3A : memref<!tpu.dma_semaphore, #tpu.memory_space<semaphore_mem>>)
      tpu.wait_dma2 semaphore(%run_scoped3A : memref<!tpu.dma_semaphore, #tpu.memory_space<semaphore_mem>>) src(%arg3 : memref<128x128xf32, #tpu.memory_space<hbm>>) dst(%arg8 : memref<128x128xf32, #tpu.memory_space<vmem>>)
      tpu.yield
    }) : () -> ()
    %barrier3A = arith.constant 0 : index
    tpu.barrier barrier_id(%barrier3A)
    %mul3A_5 = arith.constant 80 : i32
    %mul3A_6 = arith.muli %add3A, %mul3A_5 : i32
    %add3A_7 = arith.constant 0 : i32
    %add3A_8 = arith.addi %mul3A_6, %add3A_7 : i32
    "tpu.region"() ({
      %run_scoped3A = tpu.sem_alloc : memref<!tpu.dma_semaphore, #tpu.memory_space<semaphore_mem>>
      %dma_start3A = arith.constant 0 : i32
      %dma_start3A_27 = tpu.memref_slice %arg2[%add3A_8, %dma_start3A] : memref<2560x128xi32, #tpu.memory_space<hbm>> -> memref<40x128xi32, #tpu.memory_space<hbm>>
      %dma_start3A_28 = arith.constant 0 : i32
      %dma_start3A_29 = tpu.memref_slice %arg2[%add3A_8, %dma_start3A_28] : memref<2560x128xi32, #tpu.memory_space<hbm>> -> memref<40x128xi32, #tpu.memory_space<hbm>>
      tpu.enqueue_dma source(%dma_start3A_29 : memref<40x128xi32, #tpu.memory_space<hbm>>) target(%arg7 : memref<40x128xi32, #tpu.memory_space<vmem>>) target_semaphore(%run_scoped3A : memref<!tpu.dma_semaphore, #tpu.memory_space<semaphore_mem>>)
      %dma_wait3A = arith.constant 0 : i32
      %dma_wait3A_30 = tpu.memref_slice %arg2[%add3A_8, %dma_wait3A] : memref<2560x128xi32, #tpu.memory_space<hbm>> -> memref<40x128xi32, #tpu.memory_space<hbm>>
      %dma_wait3A_31 = arith.constant 0 : i32
      %dma_wait3A_32 = tpu.memref_slice %arg2[%add3A_8, %dma_wait3A_31] : memref<2560x128xi32, #tpu.memory_space<hbm>> -> memref<40x128xi32, #tpu.memory_space<hbm>>
      tpu.wait_dma2 semaphore(%run_scoped3A : memref<!tpu.dma_semaphore, #tpu.memory_space<semaphore_mem>>) src(%dma_wait3A_32 : memref<40x128xi32, #tpu.memory_space<hbm>>) dst(%arg7 : memref<40x128xi32, #tpu.memory_space<vmem>>)
      tpu.yield
    }) : () -> ()
    %scan3A = arith.constant 0 : i32
    %scan3A_9 = arith.constant 40 : i32
    %scan3A_10 = arith.addi %scan3A, %scan3A_9 : i32
    %scan3A_11 = arith.constant 1 : i32
    scf.for %scan3A_27 = %scan3A to %scan3A_10 step %scan3A_11  : i32 {
      %mul3A_28 = arith.constant 1 : i32
      %mul3A_29 = arith.muli %scan3A_27, %mul3A_28 : i32
      %add3A_30 = arith.constant 0 : i32
      %add3A_31 = arith.addi %add3A_30, %mul3A_29 : i32
      "tpu.region"() ({
        %run_scoped3A = tpu.sem_alloc : memref<!tpu.dma_semaphore, #tpu.memory_space<semaphore_mem>>
        %dma_start3A = arith.constant 0 : i32
        %dma_start3A_32 = tpu.memref_slice %arg7[%add3A_31, %dma_start3A] : memref<40x128xi32, #tpu.memory_space<vmem>> -> memref<1x128xi32, #tpu.memory_space<vmem>>
        %dma_start3A_33 = tpu.memref_squeeze %dma_start3A_32 : memref<1x128xi32, #tpu.memory_space<vmem>> -> memref<128xi32, #tpu.memory_space<vmem>>
        %dma_start3A_34 = arith.constant 0 : i32
        %dma_start3A_35 = arith.constant 0 : i32
        %dma_start3A_36 = tpu.memref_slice %arg6[%dma_start3A_34, %dma_start3A_35] : memref<10112x128xf32, #tpu.memory_space<vmem_shared>> -> memref<10112x128xf32, #tpu.memory_space<vmem_shared>>
        tpu.enqueue_indirect_dma source(%arg8 : memref<128x128xf32, #tpu.memory_space<vmem>>) target(%dma_start3A_36 : memref<10112x128xf32, #tpu.memory_space<vmem_shared>>) offsets(%dma_start3A_33 : memref<128xi32, #tpu.memory_space<vmem>>) semaphore(%run_scoped3A : memref<!tpu.dma_semaphore, #tpu.memory_space<semaphore_mem>>) {add = true}
        %dma_wait3A = arith.constant 0 : i32
        %dma_wait3A_37 = tpu.memref_slice %arg7[%add3A_31, %dma_wait3A] : memref<40x128xi32, #tpu.memory_space<vmem>> -> memref<1x128xi32, #tpu.memory_space<vmem>>
        %dma_wait3A_38 = tpu.memref_squeeze %dma_wait3A_37 : memref<1x128xi32, #tpu.memory_space<vmem>> -> memref<128xi32, #tpu.memory_space<vmem>>
        %dma_wait3A_39 = arith.constant 0 : i32
        %dma_wait3A_40 = arith.constant 0 : i32
        %dma_wait3A_41 = tpu.memref_slice %arg6[%dma_wait3A_39, %dma_wait3A_40] : memref<10112x128xf32, #tpu.memory_space<vmem_shared>> -> memref<10112x128xf32, #tpu.memory_space<vmem_shared>>
        tpu.wait_indirect_dma semaphore(%run_scoped3A : memref<!tpu.dma_semaphore, #tpu.memory_space<semaphore_mem>>) src(%arg8 : memref<128x128xf32, #tpu.memory_space<vmem>>) dst(%dma_wait3A_41 : memref<10112x128xf32, #tpu.memory_space<vmem_shared>>)
        tpu.yield
      }) : () -> ()
    }
    %scan3A_12 = arith.constant 40 : i32
    %mul3A_13 = arith.constant 80 : i32
    %mul3A_14 = arith.muli %add3A, %mul3A_13 : i32
    %add3A_15 = arith.constant 40 : i32
    %add3A_16 = arith.addi %mul3A_14, %add3A_15 : i32
    "tpu.region"() ({
      %run_scoped3A = tpu.sem_alloc : memref<!tpu.dma_semaphore, #tpu.memory_space<semaphore_mem>>
      %dma_start3A = arith.constant 0 : i32
      %dma_start3A_27 = tpu.memref_slice %arg2[%add3A_16, %dma_start3A] : memref<2560x128xi32, #tpu.memory_space<hbm>> -> memref<40x128xi32, #tpu.memory_space<hbm>>
      %dma_start3A_28 = arith.constant 0 : i32
      %dma_start3A_29 = tpu.memref_slice %arg2[%add3A_16, %dma_start3A_28] : memref<2560x128xi32, #tpu.memory_space<hbm>> -> memref<40x128xi32, #tpu.memory_space<hbm>>
      tpu.enqueue_dma source(%dma_start3A_29 : memref<40x128xi32, #tpu.memory_space<hbm>>) target(%arg7 : memref<40x128xi32, #tpu.memory_space<vmem>>) target_semaphore(%run_scoped3A : memref<!tpu.dma_semaphore, #tpu.memory_space<semaphore_mem>>)
      %dma_wait3A = arith.constant 0 : i32
      %dma_wait3A_30 = tpu.memref_slice %arg2[%add3A_16, %dma_wait3A] : memref<2560x128xi32, #tpu.memory_space<hbm>> -> memref<40x128xi32, #tpu.memory_space<hbm>>
      %dma_wait3A_31 = arith.constant 0 : i32
      %dma_wait3A_32 = tpu.memref_slice %arg2[%add3A_16, %dma_wait3A_31] : memref<2560x128xi32, #tpu.memory_space<hbm>> -> memref<40x128xi32, #tpu.memory_space<hbm>>
      tpu.wait_dma2 semaphore(%run_scoped3A : memref<!tpu.dma_semaphore, #tpu.memory_space<semaphore_mem>>) src(%dma_wait3A_32 : memref<40x128xi32, #tpu.memory_space<hbm>>) dst(%arg7 : memref<40x128xi32, #tpu.memory_space<vmem>>)
      tpu.yield
    }) : () -> ()
    %scan3A_17 = arith.constant 0 : i32
    %scan3A_18 = arith.constant 40 : i32
    %scan3A_19 = arith.addi %scan3A_17, %scan3A_18 : i32
    %scan3A_20 = arith.constant 1 : i32
    scf.for %scan3A_27 = %scan3A_17 to %scan3A_19 step %scan3A_20  : i32 {
      %mul3A_28 = arith.constant 1 : i32
      %mul3A_29 = arith.muli %scan3A_27, %mul3A_28 : i32
      %add3A_30 = arith.constant 0 : i32
      %add3A_31 = arith.addi %add3A_30, %mul3A_29 : i32
      "tpu.region"() ({
        %run_scoped3A = tpu.sem_alloc : memref<!tpu.dma_semaphore, #tpu.memory_space<semaphore_mem>>
        %dma_start3A = arith.constant 0 : i32
        %dma_start3A_32 = tpu.memref_slice %arg7[%add3A_31, %dma_start3A] : memref<40x128xi32, #tpu.memory_space<vmem>> -> memref<1x128xi32, #tpu.memory_space<vmem>>
        %dma_start3A_33 = tpu.memref_squeeze %dma_start3A_32 : memref<1x128xi32, #tpu.memory_space<vmem>> -> memref<128xi32, #tpu.memory_space<vmem>>
        %dma_start3A_34 = arith.constant 0 : i32
        %dma_start3A_35 = arith.constant 0 : i32
        %dma_start3A_36 = tpu.memref_slice %arg6[%dma_start3A_34, %dma_start3A_35] : memref<10112x128xf32, #tpu.memory_space<vmem_shared>> -> memref<10112x128xf32, #tpu.memory_space<vmem_shared>>
        tpu.enqueue_indirect_dma source(%arg8 : memref<128x128xf32, #tpu.memory_space<vmem>>) target(%dma_start3A_36 : memref<10112x128xf32, #tpu.memory_space<vmem_shared>>) offsets(%dma_start3A_33 : memref<128xi32, #tpu.memory_space<vmem>>) semaphore(%run_scoped3A : memref<!tpu.dma_semaphore, #tpu.memory_space<semaphore_mem>>) {add = true}
        %dma_wait3A = arith.constant 0 : i32
        %dma_wait3A_37 = tpu.memref_slice %arg7[%add3A_31, %dma_wait3A] : memref<40x128xi32, #tpu.memory_space<vmem>> -> memref<1x128xi32, #tpu.memory_space<vmem>>
        %dma_wait3A_38 = tpu.memref_squeeze %dma_wait3A_37 : memref<1x128xi32, #tpu.memory_space<vmem>> -> memref<128xi32, #tpu.memory_space<vmem>>
        %dma_wait3A_39 = arith.constant 0 : i32
        %dma_wait3A_40 = arith.constant 0 : i32
        %dma_wait3A_41 = tpu.memref_slice %arg6[%dma_wait3A_39, %dma_wait3A_40] : memref<10112x128xf32, #tpu.memory_space<vmem_shared>> -> memref<10112x128xf32, #tpu.memory_space<vmem_shared>>
        tpu.wait_indirect_dma semaphore(%run_scoped3A : memref<!tpu.dma_semaphore, #tpu.memory_space<semaphore_mem>>) src(%arg8 : memref<128x128xf32, #tpu.memory_space<vmem>>) dst(%dma_wait3A_41 : memref<10112x128xf32, #tpu.memory_space<vmem_shared>>)
        tpu.yield
      }) : () -> ()
    }
    %scan3A_21 = arith.constant 40 : i32
    %barrier3A_22 = arith.constant 0 : index
    tpu.barrier barrier_id(%barrier3A_22)
    %mul3A_23 = arith.constant 632 : i32
    %mul3A_24 = arith.muli %arg1, %mul3A_23 : i32
    %mul3A_25 = arith.constant 632 : i32
    %mul3A_26 = arith.muli %arg1, %mul3A_25 : i32
    "tpu.region"() ({
      %run_scoped3A = tpu.sem_alloc : memref<!tpu.dma_semaphore, #tpu.memory_space<semaphore_mem>>
      %dma_start3A = arith.constant 0 : i32
      %dma_start3A_27 = tpu.memref_slice %arg5[%arg0, %mul3A_26, %dma_start3A] : memref<2x10112x128xf32, #tpu.memory_space<hbm>> -> memref<1x632x128xf32, #tpu.memory_space<hbm>>
      %dma_start3A_28 = tpu.memref_squeeze %dma_start3A_27 : memref<1x632x128xf32, #tpu.memory_space<hbm>> -> memref<632x128xf32, #tpu.memory_space<hbm>>
      %dma_start3A_29 = arith.constant 0 : i32
      %dma_start3A_30 = tpu.memref_slice %arg6[%mul3A_24, %dma_start3A_29] : memref<10112x128xf32, #tpu.memory_space<vmem_shared>> -> memref<632x128xf32, #tpu.memory_space<vmem_shared>>
      tpu.enqueue_dma source(%dma_start3A_30 : memref<632x128xf32, #tpu.memory_space<vmem_shared>>) target(%dma_start3A_28 : memref<632x128xf32, #tpu.memory_space<hbm>>) target_semaphore(%run_scoped3A : memref<!tpu.dma_semaphore, #tpu.memory_space<semaphore_mem>>)
      %dma_wait3A = arith.constant 0 : i32
      %dma_wait3A_31 = tpu.memref_slice %arg5[%arg0, %mul3A_26, %dma_wait3A] : memref<2x10112x128xf32, #tpu.memory_space<hbm>> -> memref<1x632x128xf32, #tpu.memory_space<hbm>>
      %dma_wait3A_32 = tpu.memref_squeeze %dma_wait3A_31 : memref<1x632x128xf32, #tpu.memory_space<hbm>> -> memref<632x128xf32, #tpu.memory_space<hbm>>
      %dma_wait3A_33 = arith.constant 0 : i32
      %dma_wait3A_34 = tpu.memref_slice %arg6[%mul3A_24, %dma_wait3A_33] : memref<10112x128xf32, #tpu.memory_space<vmem_shared>> -> memref<632x128xf32, #tpu.memory_space<vmem_shared>>
      tpu.wait_dma2 semaphore(%run_scoped3A : memref<!tpu.dma_semaphore, #tpu.memory_space<semaphore_mem>>) src(%dma_wait3A_34 : memref<632x128xf32, #tpu.memory_space<vmem_shared>>) dst(%dma_wait3A_32 : memref<632x128xf32, #tpu.memory_space<hbm>>)
      tpu.yield
    }) : () -> ()
    return
  }
}

#map = affine_map<(d0, d1) -> (0, 0)>
#map1 = affine_map<(d0, d1) -> (0, 0, 0)>
module attributes {stable_mosaic.version = 14 : i64} {
  func.func @_agg_sc(%arg0: i32, %arg1: i32, %arg2: memref<20224x64xf32, #tpu.memory_space<hbm>>, %arg3: memref<5120x128xi32, #tpu.memory_space<hbm>>, %arg4: memref<2560x128xi32, #tpu.memory_space<hbm>>, %arg5: memref<10112x64xf32, #tpu.memory_space<hbm>>, %arg6: memref<2x10112x64xf32, #tpu.memory_space<hbm>>, %arg7: memref<10112x64xf32, #tpu.memory_space<vmem_shared>>, %arg8: memref<160x128xi32, #tpu.memory_space<vmem>>, %arg9: memref<160x128xi32, #tpu.memory_space<vmem>>, %arg10: memref<128x64xf32, #tpu.memory_space<vmem>>, %arg11: memref<128x64xf32, #tpu.memory_space<vmem>>, %arg12: memref<128x64xf32, #tpu.memory_space<vmem>>, %arg13: memref<128x64xf32, #tpu.memory_space<vmem>>, %arg14: memref<!tpu.dma_semaphore, #tpu.memory_space<semaphore_mem>>, %arg15: memref<!tpu.dma_semaphore, #tpu.memory_space<semaphore_mem>>, %arg16: memref<!tpu.dma_semaphore, #tpu.memory_space<semaphore_mem>>, %arg17: memref<!tpu.dma_semaphore, #tpu.memory_space<semaphore_mem>>) attributes {dimension_semantics = [#tpu.dimension_semantics<core_parallel>, #tpu.dimension_semantics<subcore_parallel>], iteration_bounds = array<i64: 2, 16>, scalar_prefetch = 0 : i64, scratch_operands = 11 : i64, tpu.core_type = #tpu.core_type<sc_vector_subcore>, window_params = [{transform_indices = #map}, {transform_indices = #map}, {transform_indices = #map}, {transform_indices = #map}, {transform_indices = #map1}]} {
    %mul3A = arith.constant 632 : i32
    %mul3A_0 = arith.muli %arg1, %mul3A : i32
    "tpu.region"() ({
      %run_scoped3A = tpu.sem_alloc : memref<!tpu.dma_semaphore, #tpu.memory_space<semaphore_mem>>
      %dma_start3A_32 = arith.constant 0 : i32
      %dma_start3A_33 = tpu.memref_slice %arg7[%mul3A_0, %dma_start3A_32] : memref<10112x64xf32, #tpu.memory_space<vmem_shared>> -> memref<632x64xf32, #tpu.memory_space<vmem_shared>>
      %dma_start3A_34 = arith.constant 0 : i32
      %dma_start3A_35 = tpu.memref_slice %arg5[%mul3A_0, %dma_start3A_34] : memref<10112x64xf32, #tpu.memory_space<hbm>> -> memref<632x64xf32, #tpu.memory_space<hbm>>
      tpu.enqueue_dma source(%dma_start3A_35 : memref<632x64xf32, #tpu.memory_space<hbm>>) target(%dma_start3A_33 : memref<632x64xf32, #tpu.memory_space<vmem_shared>>) target_semaphore(%run_scoped3A : memref<!tpu.dma_semaphore, #tpu.memory_space<semaphore_mem>>)
      %dma_wait3A = arith.constant 0 : i32
      %dma_wait3A_36 = tpu.memref_slice %arg7[%mul3A_0, %dma_wait3A] : memref<10112x64xf32, #tpu.memory_space<vmem_shared>> -> memref<632x64xf32, #tpu.memory_space<vmem_shared>>
      %dma_wait3A_37 = arith.constant 0 : i32
      %dma_wait3A_38 = tpu.memref_slice %arg5[%mul3A_0, %dma_wait3A_37] : memref<10112x64xf32, #tpu.memory_space<hbm>> -> memref<632x64xf32, #tpu.memory_space<hbm>>
      tpu.wait_dma2 semaphore(%run_scoped3A : memref<!tpu.dma_semaphore, #tpu.memory_space<semaphore_mem>>) src(%dma_wait3A_38 : memref<632x64xf32, #tpu.memory_space<hbm>>) dst(%dma_wait3A_36 : memref<632x64xf32, #tpu.memory_space<vmem_shared>>)
      tpu.yield
    }) : () -> ()
    %mul3A_1 = arith.constant 16 : i32
    %mul3A_2 = arith.muli %arg0, %mul3A_1 : i32
    %add3A = arith.addi %mul3A_2, %arg1 : i32
    %mul3A_3 = arith.constant 160 : i32
    %mul3A_4 = arith.muli %add3A, %mul3A_3 : i32
    "tpu.region"() ({
      %run_scoped3A = tpu.sem_alloc : memref<!tpu.dma_semaphore, #tpu.memory_space<semaphore_mem>>
      %dma_start3A_32 = arith.constant 0 : i32
      %dma_start3A_33 = tpu.memref_slice %arg3[%mul3A_4, %dma_start3A_32] : memref<5120x128xi32, #tpu.memory_space<hbm>> -> memref<160x128xi32, #tpu.memory_space<hbm>>
      %dma_start3A_34 = arith.constant 0 : i32
      %dma_start3A_35 = tpu.memref_slice %arg3[%mul3A_4, %dma_start3A_34] : memref<5120x128xi32, #tpu.memory_space<hbm>> -> memref<160x128xi32, #tpu.memory_space<hbm>>
      tpu.enqueue_dma source(%dma_start3A_35 : memref<160x128xi32, #tpu.memory_space<hbm>>) target(%arg8 : memref<160x128xi32, #tpu.memory_space<vmem>>) target_semaphore(%run_scoped3A : memref<!tpu.dma_semaphore, #tpu.memory_space<semaphore_mem>>)
      %dma_wait3A = arith.constant 0 : i32
      %dma_wait3A_36 = tpu.memref_slice %arg3[%mul3A_4, %dma_wait3A] : memref<5120x128xi32, #tpu.memory_space<hbm>> -> memref<160x128xi32, #tpu.memory_space<hbm>>
      %dma_wait3A_37 = arith.constant 0 : i32
      %dma_wait3A_38 = tpu.memref_slice %arg3[%mul3A_4, %dma_wait3A_37] : memref<5120x128xi32, #tpu.memory_space<hbm>> -> memref<160x128xi32, #tpu.memory_space<hbm>>
      tpu.wait_dma2 semaphore(%run_scoped3A : memref<!tpu.dma_semaphore, #tpu.memory_space<semaphore_mem>>) src(%dma_wait3A_38 : memref<160x128xi32, #tpu.memory_space<hbm>>) dst(%arg8 : memref<160x128xi32, #tpu.memory_space<vmem>>)
      tpu.yield
    }) : () -> ()
    %mul3A_5 = arith.constant 160 : i32
    %mul3A_6 = arith.muli %arg1, %mul3A_5 : i32
    "tpu.region"() ({
      %run_scoped3A = tpu.sem_alloc : memref<!tpu.dma_semaphore, #tpu.memory_space<semaphore_mem>>
      %dma_start3A_32 = arith.constant 0 : i32
      %dma_start3A_33 = tpu.memref_slice %arg4[%mul3A_6, %dma_start3A_32] : memref<2560x128xi32, #tpu.memory_space<hbm>> -> memref<160x128xi32, #tpu.memory_space<hbm>>
      %dma_start3A_34 = arith.constant 0 : i32
      %dma_start3A_35 = tpu.memref_slice %arg4[%mul3A_6, %dma_start3A_34] : memref<2560x128xi32, #tpu.memory_space<hbm>> -> memref<160x128xi32, #tpu.memory_space<hbm>>
      tpu.enqueue_dma source(%dma_start3A_35 : memref<160x128xi32, #tpu.memory_space<hbm>>) target(%arg9 : memref<160x128xi32, #tpu.memory_space<vmem>>) target_semaphore(%run_scoped3A : memref<!tpu.dma_semaphore, #tpu.memory_space<semaphore_mem>>)
      %dma_wait3A = arith.constant 0 : i32
      %dma_wait3A_36 = tpu.memref_slice %arg4[%mul3A_6, %dma_wait3A] : memref<2560x128xi32, #tpu.memory_space<hbm>> -> memref<160x128xi32, #tpu.memory_space<hbm>>
      %dma_wait3A_37 = arith.constant 0 : i32
      %dma_wait3A_38 = tpu.memref_slice %arg4[%mul3A_6, %dma_wait3A_37] : memref<2560x128xi32, #tpu.memory_space<hbm>> -> memref<160x128xi32, #tpu.memory_space<hbm>>
      tpu.wait_dma2 semaphore(%run_scoped3A : memref<!tpu.dma_semaphore, #tpu.memory_space<semaphore_mem>>) src(%dma_wait3A_38 : memref<160x128xi32, #tpu.memory_space<hbm>>) dst(%arg9 : memref<160x128xi32, #tpu.memory_space<vmem>>)
      tpu.yield
    }) : () -> ()
    %barrier3A = arith.constant 0 : index
    tpu.barrier barrier_id(%barrier3A)
    %dma_start3A = arith.constant 0 : i32
    %dma_start3A_7 = arith.constant 0 : i32
    %dma_start3A_8 = tpu.memref_slice %arg8[%dma_start3A, %dma_start3A_7] : memref<160x128xi32, #tpu.memory_space<vmem>> -> memref<1x128xi32, #tpu.memory_space<vmem>>
    %dma_start3A_9 = tpu.memref_squeeze %dma_start3A_8 : memref<1x128xi32, #tpu.memory_space<vmem>> -> memref<128xi32, #tpu.memory_space<vmem>>
    %dma_start3A_10 = arith.constant 0 : i32
    %dma_start3A_11 = arith.constant 0 : i32
    %dma_start3A_12 = tpu.memref_slice %arg2[%dma_start3A_10, %dma_start3A_11] : memref<20224x64xf32, #tpu.memory_space<hbm>> -> memref<20224x64xf32, #tpu.memory_space<hbm>>
    tpu.enqueue_indirect_dma source(%dma_start3A_12 : memref<20224x64xf32, #tpu.memory_space<hbm>>) target(%arg10 : memref<128x64xf32, #tpu.memory_space<vmem>>) offsets(%dma_start3A_9 : memref<128xi32, #tpu.memory_space<vmem>>) semaphore(%arg14 : memref<!tpu.dma_semaphore, #tpu.memory_space<semaphore_mem>>)
    %dma_start3A_13 = arith.constant 1 : i32
    %dma_start3A_14 = arith.constant 0 : i32
    %dma_start3A_15 = tpu.memref_slice %arg8[%dma_start3A_13, %dma_start3A_14] : memref<160x128xi32, #tpu.memory_space<vmem>> -> memref<1x128xi32, #tpu.memory_space<vmem>>
    %dma_start3A_16 = tpu.memref_squeeze %dma_start3A_15 : memref<1x128xi32, #tpu.memory_space<vmem>> -> memref<128xi32, #tpu.memory_space<vmem>>
    %dma_start3A_17 = arith.constant 0 : i32
    %dma_start3A_18 = arith.constant 0 : i32
    %dma_start3A_19 = tpu.memref_slice %arg2[%dma_start3A_17, %dma_start3A_18] : memref<20224x64xf32, #tpu.memory_space<hbm>> -> memref<20224x64xf32, #tpu.memory_space<hbm>>
    tpu.enqueue_indirect_dma source(%dma_start3A_19 : memref<20224x64xf32, #tpu.memory_space<hbm>>) target(%arg11 : memref<128x64xf32, #tpu.memory_space<vmem>>) offsets(%dma_start3A_16 : memref<128xi32, #tpu.memory_space<vmem>>) semaphore(%arg15 : memref<!tpu.dma_semaphore, #tpu.memory_space<semaphore_mem>>)
    %dma_start3A_20 = arith.constant 2 : i32
    %dma_start3A_21 = arith.constant 0 : i32
    %dma_start3A_22 = tpu.memref_slice %arg8[%dma_start3A_20, %dma_start3A_21] : memref<160x128xi32, #tpu.memory_space<vmem>> -> memref<1x128xi32, #tpu.memory_space<vmem>>
    %dma_start3A_23 = tpu.memref_squeeze %dma_start3A_22 : memref<1x128xi32, #tpu.memory_space<vmem>> -> memref<128xi32, #tpu.memory_space<vmem>>
    %dma_start3A_24 = arith.constant 0 : i32
    %dma_start3A_25 = arith.constant 0 : i32
    %dma_start3A_26 = tpu.memref_slice %arg2[%dma_start3A_24, %dma_start3A_25] : memref<20224x64xf32, #tpu.memory_space<hbm>> -> memref<20224x64xf32, #tpu.memory_space<hbm>>
    tpu.enqueue_indirect_dma source(%dma_start3A_26 : memref<20224x64xf32, #tpu.memory_space<hbm>>) target(%arg12 : memref<128x64xf32, #tpu.memory_space<vmem>>) offsets(%dma_start3A_23 : memref<128xi32, #tpu.memory_space<vmem>>) semaphore(%arg16 : memref<!tpu.dma_semaphore, #tpu.memory_space<semaphore_mem>>)
    %scan3A = arith.constant 0 : i32
    %scan3A_27 = arith.constant 40 : i32
    %scan3A_28 = arith.addi %scan3A, %scan3A_27 : i32
    %scan3A_29 = arith.constant 1 : i32
    scf.for %scan3A_32 = %scan3A to %scan3A_28 step %scan3A_29  : i32 {
      %mul3A_33 = arith.constant 1 : i32
      %mul3A_34 = arith.muli %scan3A_32, %mul3A_33 : i32
      %add3A_35 = arith.constant 0 : i32
      %add3A_36 = arith.addi %add3A_35, %mul3A_34 : i32
      %mul3A_37 = arith.constant 4 : i32
      %mul3A_38 = arith.muli %add3A_36, %mul3A_37 : i32
      %add3A_39 = arith.constant 0 : i32
      %add3A_40 = arith.addi %mul3A_38, %add3A_39 : i32
      %add3A_41 = arith.constant 4 : i32
      %add3A_42 = arith.addi %add3A_40, %add3A_41 : i32
      %sub3A = arith.constant 1 : i32
      %sub3A_43 = arith.subi %add3A_42, %sub3A : i32
      %lt3A = arith.constant 160 : i32
      %lt3A_44 = arith.cmpi slt, %sub3A_43, %lt3A : i32
      %convert_element_type3A = arith.extui %lt3A_44 : i1 to i32
      %cond3A = arith.constant 0 : i32
      %cond3A_45 = arith.cmpi ne, %convert_element_type3A, %cond3A : i32
      scf.if %cond3A_45 {
        %add3A_102 = arith.constant 4 : i32
        %add3A_103 = arith.addi %add3A_40, %add3A_102 : i32
        %sub3A_104 = arith.constant 1 : i32
        %sub3A_105 = arith.subi %add3A_103, %sub3A_104 : i32
        %dma_start3A_106 = arith.constant 0 : i32
        %dma_start3A_107 = tpu.memref_slice %arg8[%sub3A_105, %dma_start3A_106] : memref<160x128xi32, #tpu.memory_space<vmem>> -> memref<1x128xi32, #tpu.memory_space<vmem>>
        %dma_start3A_108 = tpu.memref_squeeze %dma_start3A_107 : memref<1x128xi32, #tpu.memory_space<vmem>> -> memref<128xi32, #tpu.memory_space<vmem>>
        %dma_start3A_109 = arith.constant 0 : i32
        %dma_start3A_110 = arith.constant 0 : i32
        %dma_start3A_111 = tpu.memref_slice %arg2[%dma_start3A_109, %dma_start3A_110] : memref<20224x64xf32, #tpu.memory_space<hbm>> -> memref<20224x64xf32, #tpu.memory_space<hbm>>
        tpu.enqueue_indirect_dma source(%dma_start3A_111 : memref<20224x64xf32, #tpu.memory_space<hbm>>) target(%arg13 : memref<128x64xf32, #tpu.memory_space<vmem>>) offsets(%dma_start3A_108 : memref<128xi32, #tpu.memory_space<vmem>>) semaphore(%arg17 : memref<!tpu.dma_semaphore, #tpu.memory_space<semaphore_mem>>)
      } else {
      }
      %dma_wait3A = arith.constant 0 : i32
      %dma_wait3A_46 = tpu.memref_slice %arg8[%add3A_40, %dma_wait3A] : memref<160x128xi32, #tpu.memory_space<vmem>> -> memref<1x128xi32, #tpu.memory_space<vmem>>
      %dma_wait3A_47 = tpu.memref_squeeze %dma_wait3A_46 : memref<1x128xi32, #tpu.memory_space<vmem>> -> memref<128xi32, #tpu.memory_space<vmem>>
      %dma_wait3A_48 = arith.constant 0 : i32
      %dma_wait3A_49 = arith.constant 0 : i32
      %dma_wait3A_50 = tpu.memref_slice %arg2[%dma_wait3A_48, %dma_wait3A_49] : memref<20224x64xf32, #tpu.memory_space<hbm>> -> memref<20224x64xf32, #tpu.memory_space<hbm>>
      tpu.wait_indirect_dma semaphore(%arg14 : memref<!tpu.dma_semaphore, #tpu.memory_space<semaphore_mem>>) src(%dma_wait3A_50 : memref<20224x64xf32, #tpu.memory_space<hbm>>) dst(%arg10 : memref<128x64xf32, #tpu.memory_space<vmem>>)
      "tpu.region"() ({
        %run_scoped3A = tpu.sem_alloc : memref<!tpu.dma_semaphore, #tpu.memory_space<semaphore_mem>>
        %dma_start3A_102 = arith.constant 0 : i32
        %dma_start3A_103 = tpu.memref_slice %arg9[%add3A_40, %dma_start3A_102] : memref<160x128xi32, #tpu.memory_space<vmem>> -> memref<1x128xi32, #tpu.memory_space<vmem>>
        %dma_start3A_104 = tpu.memref_squeeze %dma_start3A_103 : memref<1x128xi32, #tpu.memory_space<vmem>> -> memref<128xi32, #tpu.memory_space<vmem>>
        %dma_start3A_105 = arith.constant 0 : i32
        %dma_start3A_106 = arith.constant 0 : i32
        %dma_start3A_107 = tpu.memref_slice %arg7[%dma_start3A_105, %dma_start3A_106] : memref<10112x64xf32, #tpu.memory_space<vmem_shared>> -> memref<10112x64xf32, #tpu.memory_space<vmem_shared>>
        tpu.enqueue_indirect_dma source(%arg10 : memref<128x64xf32, #tpu.memory_space<vmem>>) target(%dma_start3A_107 : memref<10112x64xf32, #tpu.memory_space<vmem_shared>>) offsets(%dma_start3A_104 : memref<128xi32, #tpu.memory_space<vmem>>) semaphore(%run_scoped3A : memref<!tpu.dma_semaphore, #tpu.memory_space<semaphore_mem>>) {add = true}
        %dma_wait3A_108 = arith.constant 0 : i32
        %dma_wait3A_109 = tpu.memref_slice %arg9[%add3A_40, %dma_wait3A_108] : memref<160x128xi32, #tpu.memory_space<vmem>> -> memref<1x128xi32, #tpu.memory_space<vmem>>
        %dma_wait3A_110 = tpu.memref_squeeze %dma_wait3A_109 : memref<1x128xi32, #tpu.memory_space<vmem>> -> memref<128xi32, #tpu.memory_space<vmem>>
        %dma_wait3A_111 = arith.constant 0 : i32
        %dma_wait3A_112 = arith.constant 0 : i32
        %dma_wait3A_113 = tpu.memref_slice %arg7[%dma_wait3A_111, %dma_wait3A_112] : memref<10112x64xf32, #tpu.memory_space<vmem_shared>> -> memref<10112x64xf32, #tpu.memory_space<vmem_shared>>
        tpu.wait_indirect_dma semaphore(%run_scoped3A : memref<!tpu.dma_semaphore, #tpu.memory_space<semaphore_mem>>) src(%arg10 : memref<128x64xf32, #tpu.memory_space<vmem>>) dst(%dma_wait3A_113 : memref<10112x64xf32, #tpu.memory_space<vmem_shared>>)
        tpu.yield
      }) : () -> ()
      %add3A_51 = arith.constant 1 : i32
      %add3A_52 = arith.addi %mul3A_38, %add3A_51 : i32
      %add3A_53 = arith.constant 4 : i32
      %add3A_54 = arith.addi %add3A_52, %add3A_53 : i32
      %sub3A_55 = arith.constant 1 : i32
      %sub3A_56 = arith.subi %add3A_54, %sub3A_55 : i32
      %lt3A_57 = arith.constant 160 : i32
      %lt3A_58 = arith.cmpi slt, %sub3A_56, %lt3A_57 : i32
      %convert_element_type3A_59 = arith.extui %lt3A_58 : i1 to i32
      %cond3A_60 = arith.constant 0 : i32
      %cond3A_61 = arith.cmpi ne, %convert_element_type3A_59, %cond3A_60 : i32
      scf.if %cond3A_61 {
        %add3A_102 = arith.constant 4 : i32
        %add3A_103 = arith.addi %add3A_52, %add3A_102 : i32
        %sub3A_104 = arith.constant 1 : i32
        %sub3A_105 = arith.subi %add3A_103, %sub3A_104 : i32
        %dma_start3A_106 = arith.constant 0 : i32
        %dma_start3A_107 = tpu.memref_slice %arg8[%sub3A_105, %dma_start3A_106] : memref<160x128xi32, #tpu.memory_space<vmem>> -> memref<1x128xi32, #tpu.memory_space<vmem>>
        %dma_start3A_108 = tpu.memref_squeeze %dma_start3A_107 : memref<1x128xi32, #tpu.memory_space<vmem>> -> memref<128xi32, #tpu.memory_space<vmem>>
        %dma_start3A_109 = arith.constant 0 : i32
        %dma_start3A_110 = arith.constant 0 : i32
        %dma_start3A_111 = tpu.memref_slice %arg2[%dma_start3A_109, %dma_start3A_110] : memref<20224x64xf32, #tpu.memory_space<hbm>> -> memref<20224x64xf32, #tpu.memory_space<hbm>>
        tpu.enqueue_indirect_dma source(%dma_start3A_111 : memref<20224x64xf32, #tpu.memory_space<hbm>>) target(%arg10 : memref<128x64xf32, #tpu.memory_space<vmem>>) offsets(%dma_start3A_108 : memref<128xi32, #tpu.memory_space<vmem>>) semaphore(%arg14 : memref<!tpu.dma_semaphore, #tpu.memory_space<semaphore_mem>>)
      } else {
      }
      %dma_wait3A_62 = arith.constant 0 : i32
      %dma_wait3A_63 = tpu.memref_slice %arg8[%add3A_52, %dma_wait3A_62] : memref<160x128xi32, #tpu.memory_space<vmem>> -> memref<1x128xi32, #tpu.memory_space<vmem>>
      %dma_wait3A_64 = tpu.memref_squeeze %dma_wait3A_63 : memref<1x128xi32, #tpu.memory_space<vmem>> -> memref<128xi32, #tpu.memory_space<vmem>>
      %dma_wait3A_65 = arith.constant 0 : i32
      %dma_wait3A_66 = arith.constant 0 : i32
      %dma_wait3A_67 = tpu.memref_slice %arg2[%dma_wait3A_65, %dma_wait3A_66] : memref<20224x64xf32, #tpu.memory_space<hbm>> -> memref<20224x64xf32, #tpu.memory_space<hbm>>
      tpu.wait_indirect_dma semaphore(%arg15 : memref<!tpu.dma_semaphore, #tpu.memory_space<semaphore_mem>>) src(%dma_wait3A_67 : memref<20224x64xf32, #tpu.memory_space<hbm>>) dst(%arg11 : memref<128x64xf32, #tpu.memory_space<vmem>>)
      "tpu.region"() ({
        %run_scoped3A = tpu.sem_alloc : memref<!tpu.dma_semaphore, #tpu.memory_space<semaphore_mem>>
        %dma_start3A_102 = arith.constant 0 : i32
        %dma_start3A_103 = tpu.memref_slice %arg9[%add3A_52, %dma_start3A_102] : memref<160x128xi32, #tpu.memory_space<vmem>> -> memref<1x128xi32, #tpu.memory_space<vmem>>
        %dma_start3A_104 = tpu.memref_squeeze %dma_start3A_103 : memref<1x128xi32, #tpu.memory_space<vmem>> -> memref<128xi32, #tpu.memory_space<vmem>>
        %dma_start3A_105 = arith.constant 0 : i32
        %dma_start3A_106 = arith.constant 0 : i32
        %dma_start3A_107 = tpu.memref_slice %arg7[%dma_start3A_105, %dma_start3A_106] : memref<10112x64xf32, #tpu.memory_space<vmem_shared>> -> memref<10112x64xf32, #tpu.memory_space<vmem_shared>>
        tpu.enqueue_indirect_dma source(%arg11 : memref<128x64xf32, #tpu.memory_space<vmem>>) target(%dma_start3A_107 : memref<10112x64xf32, #tpu.memory_space<vmem_shared>>) offsets(%dma_start3A_104 : memref<128xi32, #tpu.memory_space<vmem>>) semaphore(%run_scoped3A : memref<!tpu.dma_semaphore, #tpu.memory_space<semaphore_mem>>) {add = true}
        %dma_wait3A_108 = arith.constant 0 : i32
        %dma_wait3A_109 = tpu.memref_slice %arg9[%add3A_52, %dma_wait3A_108] : memref<160x128xi32, #tpu.memory_space<vmem>> -> memref<1x128xi32, #tpu.memory_space<vmem>>
        %dma_wait3A_110 = tpu.memref_squeeze %dma_wait3A_109 : memref<1x128xi32, #tpu.memory_space<vmem>> -> memref<128xi32, #tpu.memory_space<vmem>>
        %dma_wait3A_111 = arith.constant 0 : i32
        %dma_wait3A_112 = arith.constant 0 : i32
        %dma_wait3A_113 = tpu.memref_slice %arg7[%dma_wait3A_111, %dma_wait3A_112] : memref<10112x64xf32, #tpu.memory_space<vmem_shared>> -> memref<10112x64xf32, #tpu.memory_space<vmem_shared>>
        tpu.wait_indirect_dma semaphore(%run_scoped3A : memref<!tpu.dma_semaphore, #tpu.memory_space<semaphore_mem>>) src(%arg11 : memref<128x64xf32, #tpu.memory_space<vmem>>) dst(%dma_wait3A_113 : memref<10112x64xf32, #tpu.memory_space<vmem_shared>>)
        tpu.yield
      }) : () -> ()
      %add3A_68 = arith.constant 2 : i32
      %add3A_69 = arith.addi %mul3A_38, %add3A_68 : i32
      %add3A_70 = arith.constant 4 : i32
      %add3A_71 = arith.addi %add3A_69, %add3A_70 : i32
      %sub3A_72 = arith.constant 1 : i32
      %sub3A_73 = arith.subi %add3A_71, %sub3A_72 : i32
      %lt3A_74 = arith.constant 160 : i32
      %lt3A_75 = arith.cmpi slt, %sub3A_73, %lt3A_74 : i32
      %convert_element_type3A_76 = arith.extui %lt3A_75 : i1 to i32
      %cond3A_77 = arith.constant 0 : i32
      %cond3A_78 = arith.cmpi ne, %convert_element_type3A_76, %cond3A_77 : i32
      scf.if %cond3A_78 {
        %add3A_102 = arith.constant 4 : i32
        %add3A_103 = arith.addi %add3A_69, %add3A_102 : i32
        %sub3A_104 = arith.constant 1 : i32
        %sub3A_105 = arith.subi %add3A_103, %sub3A_104 : i32
        %dma_start3A_106 = arith.constant 0 : i32
        %dma_start3A_107 = tpu.memref_slice %arg8[%sub3A_105, %dma_start3A_106] : memref<160x128xi32, #tpu.memory_space<vmem>> -> memref<1x128xi32, #tpu.memory_space<vmem>>
        %dma_start3A_108 = tpu.memref_squeeze %dma_start3A_107 : memref<1x128xi32, #tpu.memory_space<vmem>> -> memref<128xi32, #tpu.memory_space<vmem>>
        %dma_start3A_109 = arith.constant 0 : i32
        %dma_start3A_110 = arith.constant 0 : i32
        %dma_start3A_111 = tpu.memref_slice %arg2[%dma_start3A_109, %dma_start3A_110] : memref<20224x64xf32, #tpu.memory_space<hbm>> -> memref<20224x64xf32, #tpu.memory_space<hbm>>
        tpu.enqueue_indirect_dma source(%dma_start3A_111 : memref<20224x64xf32, #tpu.memory_space<hbm>>) target(%arg11 : memref<128x64xf32, #tpu.memory_space<vmem>>) offsets(%dma_start3A_108 : memref<128xi32, #tpu.memory_space<vmem>>) semaphore(%arg15 : memref<!tpu.dma_semaphore, #tpu.memory_space<semaphore_mem>>)
      } else {
      }
      %dma_wait3A_79 = arith.constant 0 : i32
      %dma_wait3A_80 = tpu.memref_slice %arg8[%add3A_69, %dma_wait3A_79] : memref<160x128xi32, #tpu.memory_space<vmem>> -> memref<1x128xi32, #tpu.memory_space<vmem>>
      %dma_wait3A_81 = tpu.memref_squeeze %dma_wait3A_80 : memref<1x128xi32, #tpu.memory_space<vmem>> -> memref<128xi32, #tpu.memory_space<vmem>>
      %dma_wait3A_82 = arith.constant 0 : i32
      %dma_wait3A_83 = arith.constant 0 : i32
      %dma_wait3A_84 = tpu.memref_slice %arg2[%dma_wait3A_82, %dma_wait3A_83] : memref<20224x64xf32, #tpu.memory_space<hbm>> -> memref<20224x64xf32, #tpu.memory_space<hbm>>
      tpu.wait_indirect_dma semaphore(%arg16 : memref<!tpu.dma_semaphore, #tpu.memory_space<semaphore_mem>>) src(%dma_wait3A_84 : memref<20224x64xf32, #tpu.memory_space<hbm>>) dst(%arg12 : memref<128x64xf32, #tpu.memory_space<vmem>>)
      "tpu.region"() ({
        %run_scoped3A = tpu.sem_alloc : memref<!tpu.dma_semaphore, #tpu.memory_space<semaphore_mem>>
        %dma_start3A_102 = arith.constant 0 : i32
        %dma_start3A_103 = tpu.memref_slice %arg9[%add3A_69, %dma_start3A_102] : memref<160x128xi32, #tpu.memory_space<vmem>> -> memref<1x128xi32, #tpu.memory_space<vmem>>
        %dma_start3A_104 = tpu.memref_squeeze %dma_start3A_103 : memref<1x128xi32, #tpu.memory_space<vmem>> -> memref<128xi32, #tpu.memory_space<vmem>>
        %dma_start3A_105 = arith.constant 0 : i32
        %dma_start3A_106 = arith.constant 0 : i32
        %dma_start3A_107 = tpu.memref_slice %arg7[%dma_start3A_105, %dma_start3A_106] : memref<10112x64xf32, #tpu.memory_space<vmem_shared>> -> memref<10112x64xf32, #tpu.memory_space<vmem_shared>>
        tpu.enqueue_indirect_dma source(%arg12 : memref<128x64xf32, #tpu.memory_space<vmem>>) target(%dma_start3A_107 : memref<10112x64xf32, #tpu.memory_space<vmem_shared>>) offsets(%dma_start3A_104 : memref<128xi32, #tpu.memory_space<vmem>>) semaphore(%run_scoped3A : memref<!tpu.dma_semaphore, #tpu.memory_space<semaphore_mem>>) {add = true}
        %dma_wait3A_108 = arith.constant 0 : i32
        %dma_wait3A_109 = tpu.memref_slice %arg9[%add3A_69, %dma_wait3A_108] : memref<160x128xi32, #tpu.memory_space<vmem>> -> memref<1x128xi32, #tpu.memory_space<vmem>>
        %dma_wait3A_110 = tpu.memref_squeeze %dma_wait3A_109 : memref<1x128xi32, #tpu.memory_space<vmem>> -> memref<128xi32, #tpu.memory_space<vmem>>
        %dma_wait3A_111 = arith.constant 0 : i32
        %dma_wait3A_112 = arith.constant 0 : i32
        %dma_wait3A_113 = tpu.memref_slice %arg7[%dma_wait3A_111, %dma_wait3A_112] : memref<10112x64xf32, #tpu.memory_space<vmem_shared>> -> memref<10112x64xf32, #tpu.memory_space<vmem_shared>>
        tpu.wait_indirect_dma semaphore(%run_scoped3A : memref<!tpu.dma_semaphore, #tpu.memory_space<semaphore_mem>>) src(%arg12 : memref<128x64xf32, #tpu.memory_space<vmem>>) dst(%dma_wait3A_113 : memref<10112x64xf32, #tpu.memory_space<vmem_shared>>)
        tpu.yield
      }) : () -> ()
      %add3A_85 = arith.constant 3 : i32
      %add3A_86 = arith.addi %mul3A_38, %add3A_85 : i32
      %add3A_87 = arith.constant 4 : i32
      %add3A_88 = arith.addi %add3A_86, %add3A_87 : i32
      %sub3A_89 = arith.constant 1 : i32
      %sub3A_90 = arith.subi %add3A_88, %sub3A_89 : i32
      %lt3A_91 = arith.constant 160 : i32
      %lt3A_92 = arith.cmpi slt, %sub3A_90, %lt3A_91 : i32
      %convert_element_type3A_93 = arith.extui %lt3A_92 : i1 to i32
      %cond3A_94 = arith.constant 0 : i32
      %cond3A_95 = arith.cmpi ne, %convert_element_type3A_93, %cond3A_94 : i32
      scf.if %cond3A_95 {
        %add3A_102 = arith.constant 4 : i32
        %add3A_103 = arith.addi %add3A_86, %add3A_102 : i32
        %sub3A_104 = arith.constant 1 : i32
        %sub3A_105 = arith.subi %add3A_103, %sub3A_104 : i32
        %dma_start3A_106 = arith.constant 0 : i32
        %dma_start3A_107 = tpu.memref_slice %arg8[%sub3A_105, %dma_start3A_106] : memref<160x128xi32, #tpu.memory_space<vmem>> -> memref<1x128xi32, #tpu.memory_space<vmem>>
        %dma_start3A_108 = tpu.memref_squeeze %dma_start3A_107 : memref<1x128xi32, #tpu.memory_space<vmem>> -> memref<128xi32, #tpu.memory_space<vmem>>
        %dma_start3A_109 = arith.constant 0 : i32
        %dma_start3A_110 = arith.constant 0 : i32
        %dma_start3A_111 = tpu.memref_slice %arg2[%dma_start3A_109, %dma_start3A_110] : memref<20224x64xf32, #tpu.memory_space<hbm>> -> memref<20224x64xf32, #tpu.memory_space<hbm>>
        tpu.enqueue_indirect_dma source(%dma_start3A_111 : memref<20224x64xf32, #tpu.memory_space<hbm>>) target(%arg12 : memref<128x64xf32, #tpu.memory_space<vmem>>) offsets(%dma_start3A_108 : memref<128xi32, #tpu.memory_space<vmem>>) semaphore(%arg16 : memref<!tpu.dma_semaphore, #tpu.memory_space<semaphore_mem>>)
      } else {
      }
      %dma_wait3A_96 = arith.constant 0 : i32
      %dma_wait3A_97 = tpu.memref_slice %arg8[%add3A_86, %dma_wait3A_96] : memref<160x128xi32, #tpu.memory_space<vmem>> -> memref<1x128xi32, #tpu.memory_space<vmem>>
      %dma_wait3A_98 = tpu.memref_squeeze %dma_wait3A_97 : memref<1x128xi32, #tpu.memory_space<vmem>> -> memref<128xi32, #tpu.memory_space<vmem>>
      %dma_wait3A_99 = arith.constant 0 : i32
      %dma_wait3A_100 = arith.constant 0 : i32
      %dma_wait3A_101 = tpu.memref_slice %arg2[%dma_wait3A_99, %dma_wait3A_100] : memref<20224x64xf32, #tpu.memory_space<hbm>> -> memref<20224x64xf32, #tpu.memory_space<hbm>>
      tpu.wait_indirect_dma semaphore(%arg17 : memref<!tpu.dma_semaphore, #tpu.memory_space<semaphore_mem>>) src(%dma_wait3A_101 : memref<20224x64xf32, #tpu.memory_space<hbm>>) dst(%arg13 : memref<128x64xf32, #tpu.memory_space<vmem>>)
      "tpu.region"() ({
        %run_scoped3A = tpu.sem_alloc : memref<!tpu.dma_semaphore, #tpu.memory_space<semaphore_mem>>
        %dma_start3A_102 = arith.constant 0 : i32
        %dma_start3A_103 = tpu.memref_slice %arg9[%add3A_86, %dma_start3A_102] : memref<160x128xi32, #tpu.memory_space<vmem>> -> memref<1x128xi32, #tpu.memory_space<vmem>>
        %dma_start3A_104 = tpu.memref_squeeze %dma_start3A_103 : memref<1x128xi32, #tpu.memory_space<vmem>> -> memref<128xi32, #tpu.memory_space<vmem>>
        %dma_start3A_105 = arith.constant 0 : i32
        %dma_start3A_106 = arith.constant 0 : i32
        %dma_start3A_107 = tpu.memref_slice %arg7[%dma_start3A_105, %dma_start3A_106] : memref<10112x64xf32, #tpu.memory_space<vmem_shared>> -> memref<10112x64xf32, #tpu.memory_space<vmem_shared>>
        tpu.enqueue_indirect_dma source(%arg13 : memref<128x64xf32, #tpu.memory_space<vmem>>) target(%dma_start3A_107 : memref<10112x64xf32, #tpu.memory_space<vmem_shared>>) offsets(%dma_start3A_104 : memref<128xi32, #tpu.memory_space<vmem>>) semaphore(%run_scoped3A : memref<!tpu.dma_semaphore, #tpu.memory_space<semaphore_mem>>) {add = true}
        %dma_wait3A_108 = arith.constant 0 : i32
        %dma_wait3A_109 = tpu.memref_slice %arg9[%add3A_86, %dma_wait3A_108] : memref<160x128xi32, #tpu.memory_space<vmem>> -> memref<1x128xi32, #tpu.memory_space<vmem>>
        %dma_wait3A_110 = tpu.memref_squeeze %dma_wait3A_109 : memref<1x128xi32, #tpu.memory_space<vmem>> -> memref<128xi32, #tpu.memory_space<vmem>>
        %dma_wait3A_111 = arith.constant 0 : i32
        %dma_wait3A_112 = arith.constant 0 : i32
        %dma_wait3A_113 = tpu.memref_slice %arg7[%dma_wait3A_111, %dma_wait3A_112] : memref<10112x64xf32, #tpu.memory_space<vmem_shared>> -> memref<10112x64xf32, #tpu.memory_space<vmem_shared>>
        tpu.wait_indirect_dma semaphore(%run_scoped3A : memref<!tpu.dma_semaphore, #tpu.memory_space<semaphore_mem>>) src(%arg13 : memref<128x64xf32, #tpu.memory_space<vmem>>) dst(%dma_wait3A_113 : memref<10112x64xf32, #tpu.memory_space<vmem_shared>>)
        tpu.yield
      }) : () -> ()
    }
    %scan3A_30 = arith.constant 40 : i32
    %barrier3A_31 = arith.constant 0 : index
    tpu.barrier barrier_id(%barrier3A_31)
    "tpu.region"() ({
      %run_scoped3A = tpu.sem_alloc : memref<!tpu.dma_semaphore, #tpu.memory_space<semaphore_mem>>
      %dma_start3A_32 = arith.constant 0 : i32
      %dma_start3A_33 = tpu.memref_slice %arg6[%arg0, %mul3A_0, %dma_start3A_32] : memref<2x10112x64xf32, #tpu.memory_space<hbm>> -> memref<1x632x64xf32, #tpu.memory_space<hbm>>
      %dma_start3A_34 = tpu.memref_squeeze %dma_start3A_33 : memref<1x632x64xf32, #tpu.memory_space<hbm>> -> memref<632x64xf32, #tpu.memory_space<hbm>>
      %dma_start3A_35 = arith.constant 0 : i32
      %dma_start3A_36 = tpu.memref_slice %arg7[%mul3A_0, %dma_start3A_35] : memref<10112x64xf32, #tpu.memory_space<vmem_shared>> -> memref<632x64xf32, #tpu.memory_space<vmem_shared>>
      tpu.enqueue_dma source(%dma_start3A_36 : memref<632x64xf32, #tpu.memory_space<vmem_shared>>) target(%dma_start3A_34 : memref<632x64xf32, #tpu.memory_space<hbm>>) target_semaphore(%run_scoped3A : memref<!tpu.dma_semaphore, #tpu.memory_space<semaphore_mem>>)
      %dma_wait3A = arith.constant 0 : i32
      %dma_wait3A_37 = tpu.memref_slice %arg6[%arg0, %mul3A_0, %dma_wait3A] : memref<2x10112x64xf32, #tpu.memory_space<hbm>> -> memref<1x632x64xf32, #tpu.memory_space<hbm>>
      %dma_wait3A_38 = tpu.memref_squeeze %dma_wait3A_37 : memref<1x632x64xf32, #tpu.memory_space<hbm>> -> memref<632x64xf32, #tpu.memory_space<hbm>>
      %dma_wait3A_39 = arith.constant 0 : i32
      %dma_wait3A_40 = tpu.memref_slice %arg7[%mul3A_0, %dma_wait3A_39] : memref<10112x64xf32, #tpu.memory_space<vmem_shared>> -> memref<632x64xf32, #tpu.memory_space<vmem_shared>>
      tpu.wait_dma2 semaphore(%run_scoped3A : memref<!tpu.dma_semaphore, #tpu.memory_space<semaphore_mem>>) src(%dma_wait3A_40 : memref<632x64xf32, #tpu.memory_space<vmem_shared>>) dst(%dma_wait3A_38 : memref<632x64xf32, #tpu.memory_space<hbm>>)
      tpu.yield
    }) : () -> ()
    return
  }
}

module attributes {stable_mosaic.version = 14 : i64} {
  func.func @body(%arg0: i32, %arg1: memref<1000x128xf32, #tpu.memory_space<vmem>>, %arg2: memref<128x128xf32, #tpu.memory_space<vmem>>, %arg3: memref<2x1000x128xf32, #tpu.memory_space<vmem>>, %arg4: memref<2x1000x64xf32, #tpu.memory_space<vmem>>) attributes {dimension_semantics = [#tpu.dimension_semantics<arbitrary>], iteration_bounds = array<i64: 10>, scalar_prefetch = 0 : i64, scratch_operands = 0 : i64, tpu.core_type = #tpu.core_type<tc>, window_params = [{transform_indices = @transform_0, window_bounds = array<i64: 1000, 128>}, {pipeline_mode = #tpu.pipeline_mode<synchronous>, transform_indices = @transform_1, window_bounds = array<i64: 128, 128>}, {transform_indices = @transform_2, window_bounds = array<i64: 2, 1000, 128>}, {transform_indices = @transform_3, window_bounds = array<i64: 2, 1000, 64>}]} {
    %get3A = arith.constant 0 : index
    %get3A_0 = arith.constant 0 : index
    %get3A_1 = arith.constant 0 : index
    %get3A_2 = vector.load %arg3[%get3A, %get3A_0, %get3A_1] : memref<2x1000x128xf32, #tpu.memory_space<vmem>>, vector<1x1000x1xf32>
    %get3A_3 = vector.shape_cast %get3A_2 : vector<1x1000x1xf32> to vector<1000xf32>
    %get3A_4 = arith.constant 1 : index
    %get3A_5 = arith.constant 0 : index
    %get3A_6 = arith.constant 0 : index
    %get3A_7 = vector.load %arg3[%get3A_4, %get3A_5, %get3A_6] : memref<2x1000x128xf32, #tpu.memory_space<vmem>>, vector<1x1000x1xf32>
    %get3A_8 = vector.shape_cast %get3A_7 : vector<1x1000x1xf32> to vector<1000xf32>
    %add3A = arith.addf %get3A_3, %get3A_8 : vector<1000xf32>
    %add3A_9 = arith.constant 2.000000e+00 : f32
    %add3A_10 = vector.broadcast %add3A_9 : f32 to vector<1000xf32>
    %add3A_11 = arith.addf %add3A, %add3A_10 : vector<1000xf32>
    %rsqrt3A = math.rsqrt %add3A_11 : vector<1000xf32>
    %broadcast_in_dim3A = vector.shape_cast %rsqrt3A : vector<1000xf32> to vector<1000x1xf32>
    %get3A_12 = arith.constant 0 : index
    %get3A_13 = arith.constant 0 : index
    %get3A_14 = vector.load %arg1[%get3A_12, %get3A_13] : memref<1000x128xf32, #tpu.memory_space<vmem>>, vector<1000x128xf32>
    %get3A_15 = arith.constant 0 : index
    %get3A_16 = arith.constant 0 : index
    %get3A_17 = vector.load %arg2[%get3A_15, %get3A_16] : memref<128x128xf32, #tpu.memory_space<vmem>>, vector<128x128xf32>
    %dot_general3A = arith.constant dense<0.000000e+00> : vector<1000x128xf32>
    %dot_general3A_18 = tpu.matmul %get3A_14, %get3A_17, %dot_general3A {dimension_numbers = #tpu.dot_dimension_numbers<[1], [0], [0], [1], [0, 0, 1, 1], [], []>, transpose_lhs_hint = false} : vector<1000x128xf32>, vector<128x128xf32>, vector<1000x128xf32> -> vector<1000x128xf32>
    %mul3A = vector.broadcast %broadcast_in_dim3A : vector<1000x1xf32> to vector<1000x128xf32>
    %mul3A_19 = arith.mulf %mul3A, %dot_general3A_18 : vector<1000x128xf32>
    %slice3A = vector.extract_strided_slice %mul3A_19 {offsets = [0, 0], sizes = [1000, 64], strides = [1, 1]} : vector<1000x128xf32> to vector<1000x64xf32>
    %slice3A_20 = vector.extract_strided_slice %mul3A_19 {offsets = [0, 64], sizes = [1000, 64], strides = [1, 1]} : vector<1000x128xf32> to vector<1000x64xf32>
    %stack3A = vector.shape_cast %slice3A : vector<1000x64xf32> to vector<1x1000x64xf32>
    %stack3A_21 = vector.shape_cast %slice3A_20 : vector<1000x64xf32> to vector<1x1000x64xf32>
    %stack3A_22 = tpu.concatenate %stack3A, %stack3A_21 in 0 : vector<1x1000x64xf32>, vector<1x1000x64xf32> -> vector<2x1000x64xf32>
    %swap3A = arith.constant 0 : index
    %swap3A_23 = arith.constant 0 : index
    %swap3A_24 = arith.constant 0 : index
    %swap3A_25 = vector.load %arg4[%swap3A, %swap3A_23, %swap3A_24] : memref<2x1000x64xf32, #tpu.memory_space<vmem>>, vector<2x1000x64xf32>
    tpu.vector_store %arg4[%swap3A, %swap3A_23, %swap3A_24], %stack3A_22 {strides = array<i32>} : memref<2x1000x64xf32, #tpu.memory_space<vmem>>, vector<2x1000x64xf32>,
    return
  }
  func.func @transform_0(%arg0: i32) -> (i32, i32) {
    %c0_i32 = arith.constant 0 : i32
    %c0_i32_0 = arith.constant 0 : i32
    return %arg0, %c0_i32 : i32, i32
  }
  func.func @transform_1(%arg0: i32) -> (i32, i32) {
    %c0_i32 = arith.constant 0 : i32
    %c0_i32_0 = arith.constant 0 : i32
    %c0_i32_1 = arith.constant 0 : i32
    return %c0_i32, %c0_i32_0 : i32, i32
  }
  func.func @transform_2(%arg0: i32) -> (i32, i32, i32) {
    %c0_i32 = arith.constant 0 : i32
    %c0_i32_0 = arith.constant 0 : i32
    %c0_i32_1 = arith.constant 0 : i32
    return %c0_i32, %arg0, %c0_i32_0 : i32, i32, i32
  }
  func.func @transform_3(%arg0: i32) -> (i32, i32, i32) {
    %c0_i32 = arith.constant 0 : i32
    %c0_i32_0 = arith.constant 0 : i32
    %c0_i32_1 = arith.constant 0 : i32
    return %c0_i32, %arg0, %c0_i32_0 : i32, i32, i32
  }
}

module attributes {stable_mosaic.version = 14 : i64} {
  func.func @body(%arg0: i32, %arg1: memref<2x1000x64xf32, #tpu.memory_space<vmem>>, %arg2: memref<2x1000x64xf32, #tpu.memory_space<vmem>>, %arg3: memref<2x1000x128xf32, #tpu.memory_space<vmem>>, %arg4: memref<1x128xf32, #tpu.memory_space<vmem>>, %arg5: memref<128x128xf32, #tpu.memory_space<vmem>>, %arg6: memref<2x1000x64xf32, #tpu.memory_space<vmem>>) attributes {dimension_semantics = [#tpu.dimension_semantics<arbitrary>], iteration_bounds = array<i64: 10>, scalar_prefetch = 0 : i64, scratch_operands = 0 : i64, tpu.core_type = #tpu.core_type<tc>, window_params = [{transform_indices = @transform_0, window_bounds = array<i64: 2, 1000, 64>}, {transform_indices = @transform_1, window_bounds = array<i64: 2, 1000, 64>}, {transform_indices = @transform_2, window_bounds = array<i64: 2, 1000, 128>}, {pipeline_mode = #tpu.pipeline_mode<synchronous>, transform_indices = @transform_3, window_bounds = array<i64: 1, 128>}, {pipeline_mode = #tpu.pipeline_mode<synchronous>, transform_indices = @transform_4, window_bounds = array<i64: 128, 128>}, {transform_indices = @transform_5, window_bounds = array<i64: 2, 1000, 64>}]} {
    %get3A = arith.constant 0 : index
    %get3A_0 = arith.constant 0 : index
    %get3A_1 = arith.constant 0 : index
    %get3A_2 = vector.load %arg3[%get3A, %get3A_0, %get3A_1] : memref<2x1000x128xf32, #tpu.memory_space<vmem>>, vector<1x1000x1xf32>
    %get3A_3 = vector.shape_cast %get3A_2 : vector<1x1000x1xf32> to vector<1000xf32>
    %get3A_4 = arith.constant 1 : index
    %get3A_5 = arith.constant 0 : index
    %get3A_6 = arith.constant 0 : index
    %get3A_7 = vector.load %arg3[%get3A_4, %get3A_5, %get3A_6] : memref<2x1000x128xf32, #tpu.memory_space<vmem>>, vector<1x1000x1xf32>
    %get3A_8 = vector.shape_cast %get3A_7 : vector<1x1000x1xf32> to vector<1000xf32>
    %add3A = arith.addf %get3A_3, %get3A_8 : vector<1000xf32>
    %add3A_9 = arith.constant 2.000000e+00 : f32
    %add3A_10 = vector.broadcast %add3A_9 : f32 to vector<1000xf32>
    %add3A_11 = arith.addf %add3A, %add3A_10 : vector<1000xf32>
    %rsqrt3A = math.rsqrt %add3A_11 : vector<1000xf32>
    %broadcast_in_dim3A = vector.shape_cast %rsqrt3A : vector<1000xf32> to vector<1000x1xf32>
    %get3A_12 = arith.constant 0 : index
    %get3A_13 = arith.constant 0 : index
    %get3A_14 = arith.constant 0 : index
    %get3A_15 = vector.load %arg1[%get3A_12, %get3A_13, %get3A_14] : memref<2x1000x64xf32, #tpu.memory_space<vmem>>, vector<1x1000x64xf32>
    %get3A_16 = vector.shape_cast %get3A_15 : vector<1x1000x64xf32> to vector<1000x64xf32>
    %get3A_17 = arith.constant 1 : index
    %get3A_18 = arith.constant 0 : index
    %get3A_19 = arith.constant 0 : index
    %get3A_20 = vector.load %arg1[%get3A_17, %get3A_18, %get3A_19] : memref<2x1000x64xf32, #tpu.memory_space<vmem>>, vector<1x1000x64xf32>
    %get3A_21 = vector.shape_cast %get3A_20 : vector<1x1000x64xf32> to vector<1000x64xf32>
    %concatenate3A = tpu.concatenate %get3A_16, %get3A_21 in 1 : vector<1000x64xf32>, vector<1000x64xf32> -> vector<1000x128xf32>
    %get3A_22 = arith.constant 0 : index
    %get3A_23 = arith.constant 0 : index
    %get3A_24 = arith.constant 0 : index
    %get3A_25 = vector.load %arg2[%get3A_22, %get3A_23, %get3A_24] : memref<2x1000x64xf32, #tpu.memory_space<vmem>>, vector<1x1000x64xf32>
    %get3A_26 = vector.shape_cast %get3A_25 : vector<1x1000x64xf32> to vector<1000x64xf32>
    %get3A_27 = arith.constant 1 : index
    %get3A_28 = arith.constant 0 : index
    %get3A_29 = arith.constant 0 : index
    %get3A_30 = vector.load %arg2[%get3A_27, %get3A_28, %get3A_29] : memref<2x1000x64xf32, #tpu.memory_space<vmem>>, vector<1x1000x64xf32>
    %get3A_31 = vector.shape_cast %get3A_30 : vector<1x1000x64xf32> to vector<1000x64xf32>
    %concatenate3A_32 = tpu.concatenate %get3A_26, %get3A_31 in 1 : vector<1000x64xf32>, vector<1000x64xf32> -> vector<1000x128xf32>
    %mul3A = arith.constant 2.000000e+00 : f32
    %mul3A_33 = vector.broadcast %mul3A : f32 to vector<1000x128xf32>
    %mul3A_34 = arith.mulf %mul3A_33, %concatenate3A_32 : vector<1000x128xf32>
    %add3A_35 = arith.addf %concatenate3A, %mul3A_34 : vector<1000x128xf32>
    %mul3A_36 = vector.broadcast %broadcast_in_dim3A : vector<1000x1xf32> to vector<1000x128xf32>
    %mul3A_37 = arith.mulf %mul3A_36, %add3A_35 : vector<1000x128xf32>
    %get3A_38 = arith.constant 0 : index
    %get3A_39 = arith.constant 0 : index
    %get3A_40 = vector.load %arg4[%get3A_38, %get3A_39] : memref<1x128xf32, #tpu.memory_space<vmem>>, vector<1x128xf32>
    %add3A_41 = vector.broadcast %get3A_40 : vector<1x128xf32> to vector<1000x128xf32>
    %add3A_42 = arith.addf %mul3A_37, %add3A_41 : vector<1000x128xf32>
    %max3A = arith.constant 0.000000e+00 : f32
    %max3A_43 = vector.broadcast %max3A : f32 to vector<1000x128xf32>
    %max3A_44 = arith.maximumf %add3A_42, %max3A_43 : vector<1000x128xf32>
    %get3A_45 = arith.constant 0 : index
    %get3A_46 = arith.constant 0 : index
    %get3A_47 = vector.load %arg5[%get3A_45, %get3A_46] : memref<128x128xf32, #tpu.memory_space<vmem>>, vector<128x128xf32>
    %dot_general3A = arith.constant dense<0.000000e+00> : vector<1000x128xf32>
    %dot_general3A_48 = tpu.matmul %max3A_44, %get3A_47, %dot_general3A {dimension_numbers = #tpu.dot_dimension_numbers<[1], [0], [0], [1], [0, 0, 1, 1], [], []>, transpose_lhs_hint = false} : vector<1000x128xf32>, vector<128x128xf32>, vector<1000x128xf32> -> vector<1000x128xf32>
    %mul3A_49 = vector.broadcast %broadcast_in_dim3A : vector<1000x1xf32> to vector<1000x128xf32>
    %mul3A_50 = arith.mulf %mul3A_49, %dot_general3A_48 : vector<1000x128xf32>
    %slice3A = vector.extract_strided_slice %mul3A_50 {offsets = [0, 0], sizes = [1000, 64], strides = [1, 1]} : vector<1000x128xf32> to vector<1000x64xf32>
    %slice3A_51 = vector.extract_strided_slice %mul3A_50 {offsets = [0, 64], sizes = [1000, 64], strides = [1, 1]} : vector<1000x128xf32> to vector<1000x64xf32>
    %stack3A = vector.shape_cast %slice3A : vector<1000x64xf32> to vector<1x1000x64xf32>
    %stack3A_52 = vector.shape_cast %slice3A_51 : vector<1000x64xf32> to vector<1x1000x64xf32>
    %stack3A_53 = tpu.concatenate %stack3A, %stack3A_52 in 0 : vector<1x1000x64xf32>, vector<1x1000x64xf32> -> vector<2x1000x64xf32>
    %swap3A = arith.constant 0 : index
    %swap3A_54 = arith.constant 0 : index
    %swap3A_55 = arith.constant 0 : index
    %swap3A_56 = vector.load %arg6[%swap3A, %swap3A_54, %swap3A_55] : memref<2x1000x64xf32, #tpu.memory_space<vmem>>, vector<2x1000x64xf32>
    tpu.vector_store %arg6[%swap3A, %swap3A_54, %swap3A_55], %stack3A_53 {strides = array<i32>} : memref<2x1000x64xf32, #tpu.memory_space<vmem>>, vector<2x1000x64xf32>,
    return
  }
  func.func @transform_0(%arg0: i32) -> (i32, i32, i32) {
    %c0_i32 = arith.constant 0 : i32
    %c0_i32_0 = arith.constant 0 : i32
    %c0_i32_1 = arith.constant 0 : i32
    return %c0_i32, %arg0, %c0_i32_0 : i32, i32, i32
  }
  func.func @transform_1(%arg0: i32) -> (i32, i32, i32) {
    %c0_i32 = arith.constant 0 : i32
    %c0_i32_0 = arith.constant 0 : i32
    %c0_i32_1 = arith.constant 0 : i32
    return %c0_i32, %arg0, %c0_i32_0 : i32, i32, i32
  }
  func.func @transform_2(%arg0: i32) -> (i32, i32, i32) {
    %c0_i32 = arith.constant 0 : i32
    %c0_i32_0 = arith.constant 0 : i32
    %c0_i32_1 = arith.constant 0 : i32
    return %c0_i32, %arg0, %c0_i32_0 : i32, i32, i32
  }
  func.func @transform_3(%arg0: i32) -> (i32, i32) {
    %c0_i32 = arith.constant 0 : i32
    %c0_i32_0 = arith.constant 0 : i32
    %c0_i32_1 = arith.constant 0 : i32
    return %c0_i32, %c0_i32_0 : i32, i32
  }
  func.func @transform_4(%arg0: i32) -> (i32, i32) {
    %c0_i32 = arith.constant 0 : i32
    %c0_i32_0 = arith.constant 0 : i32
    %c0_i32_1 = arith.constant 0 : i32
    return %c0_i32, %c0_i32_0 : i32, i32
  }
  func.func @transform_5(%arg0: i32) -> (i32, i32, i32) {
    %c0_i32 = arith.constant 0 : i32
    %c0_i32_0 = arith.constant 0 : i32
    %c0_i32_1 = arith.constant 0 : i32
    return %c0_i32, %arg0, %c0_i32_0 : i32, i32, i32
  }
}

module attributes {stable_mosaic.version = 14 : i64} {
  func.func @body(%arg0: i32, %arg1: memref<2x1000x64xf32, #tpu.memory_space<vmem>>, %arg2: memref<2x1000x64xf32, #tpu.memory_space<vmem>>, %arg3: memref<2x1000x128xf32, #tpu.memory_space<vmem>>, %arg4: memref<1x128xf32, #tpu.memory_space<vmem>>, %arg5: memref<1000x128xf32, #tpu.memory_space<vmem>>) attributes {dimension_semantics = [#tpu.dimension_semantics<arbitrary>], iteration_bounds = array<i64: 10>, scalar_prefetch = 0 : i64, scratch_operands = 0 : i64, tpu.core_type = #tpu.core_type<tc>, window_params = [{transform_indices = @transform_0, window_bounds = array<i64: 2, 1000, 64>}, {transform_indices = @transform_1, window_bounds = array<i64: 2, 1000, 64>}, {transform_indices = @transform_2, window_bounds = array<i64: 2, 1000, 128>}, {pipeline_mode = #tpu.pipeline_mode<synchronous>, transform_indices = @transform_3, window_bounds = array<i64: 1, 128>}, {transform_indices = @transform_4, window_bounds = array<i64: 1000, 128>}]} {
    %get3A = arith.constant 0 : index
    %get3A_0 = arith.constant 0 : index
    %get3A_1 = arith.constant 0 : index
    %get3A_2 = vector.load %arg3[%get3A, %get3A_0, %get3A_1] : memref<2x1000x128xf32, #tpu.memory_space<vmem>>, vector<1x1000x1xf32>
    %get3A_3 = vector.shape_cast %get3A_2 : vector<1x1000x1xf32> to vector<1000xf32>
    %get3A_4 = arith.constant 1 : index
    %get3A_5 = arith.constant 0 : index
    %get3A_6 = arith.constant 0 : index
    %get3A_7 = vector.load %arg3[%get3A_4, %get3A_5, %get3A_6] : memref<2x1000x128xf32, #tpu.memory_space<vmem>>, vector<1x1000x1xf32>
    %get3A_8 = vector.shape_cast %get3A_7 : vector<1x1000x1xf32> to vector<1000xf32>
    %add3A = arith.addf %get3A_3, %get3A_8 : vector<1000xf32>
    %add3A_9 = arith.constant 2.000000e+00 : f32
    %add3A_10 = vector.broadcast %add3A_9 : f32 to vector<1000xf32>
    %add3A_11 = arith.addf %add3A, %add3A_10 : vector<1000xf32>
    %rsqrt3A = math.rsqrt %add3A_11 : vector<1000xf32>
    %broadcast_in_dim3A = vector.shape_cast %rsqrt3A : vector<1000xf32> to vector<1000x1xf32>
    %get3A_12 = arith.constant 0 : index
    %get3A_13 = arith.constant 0 : index
    %get3A_14 = arith.constant 0 : index
    %get3A_15 = vector.load %arg1[%get3A_12, %get3A_13, %get3A_14] : memref<2x1000x64xf32, #tpu.memory_space<vmem>>, vector<1x1000x64xf32>
    %get3A_16 = vector.shape_cast %get3A_15 : vector<1x1000x64xf32> to vector<1000x64xf32>
    %get3A_17 = arith.constant 1 : index
    %get3A_18 = arith.constant 0 : index
    %get3A_19 = arith.constant 0 : index
    %get3A_20 = vector.load %arg1[%get3A_17, %get3A_18, %get3A_19] : memref<2x1000x64xf32, #tpu.memory_space<vmem>>, vector<1x1000x64xf32>
    %get3A_21 = vector.shape_cast %get3A_20 : vector<1x1000x64xf32> to vector<1000x64xf32>
    %concatenate3A = tpu.concatenate %get3A_16, %get3A_21 in 1 : vector<1000x64xf32>, vector<1000x64xf32> -> vector<1000x128xf32>
    %get3A_22 = arith.constant 0 : index
    %get3A_23 = arith.constant 0 : index
    %get3A_24 = arith.constant 0 : index
    %get3A_25 = vector.load %arg2[%get3A_22, %get3A_23, %get3A_24] : memref<2x1000x64xf32, #tpu.memory_space<vmem>>, vector<1x1000x64xf32>
    %get3A_26 = vector.shape_cast %get3A_25 : vector<1x1000x64xf32> to vector<1000x64xf32>
    %get3A_27 = arith.constant 1 : index
    %get3A_28 = arith.constant 0 : index
    %get3A_29 = arith.constant 0 : index
    %get3A_30 = vector.load %arg2[%get3A_27, %get3A_28, %get3A_29] : memref<2x1000x64xf32, #tpu.memory_space<vmem>>, vector<1x1000x64xf32>
    %get3A_31 = vector.shape_cast %get3A_30 : vector<1x1000x64xf32> to vector<1000x64xf32>
    %concatenate3A_32 = tpu.concatenate %get3A_26, %get3A_31 in 1 : vector<1000x64xf32>, vector<1000x64xf32> -> vector<1000x128xf32>
    %mul3A = arith.constant 2.000000e+00 : f32
    %mul3A_33 = vector.broadcast %mul3A : f32 to vector<1000x128xf32>
    %mul3A_34 = arith.mulf %mul3A_33, %concatenate3A_32 : vector<1000x128xf32>
    %add3A_35 = arith.addf %concatenate3A, %mul3A_34 : vector<1000x128xf32>
    %mul3A_36 = vector.broadcast %broadcast_in_dim3A : vector<1000x1xf32> to vector<1000x128xf32>
    %mul3A_37 = arith.mulf %mul3A_36, %add3A_35 : vector<1000x128xf32>
    %get3A_38 = arith.constant 0 : index
    %get3A_39 = arith.constant 0 : index
    %get3A_40 = vector.load %arg4[%get3A_38, %get3A_39] : memref<1x128xf32, #tpu.memory_space<vmem>>, vector<1x128xf32>
    %add3A_41 = vector.broadcast %get3A_40 : vector<1x128xf32> to vector<1000x128xf32>
    %add3A_42 = arith.addf %mul3A_37, %add3A_41 : vector<1000x128xf32>
    %swap3A = arith.constant 0 : index
    %swap3A_43 = arith.constant 0 : index
    %swap3A_44 = vector.load %arg5[%swap3A, %swap3A_43] : memref<1000x128xf32, #tpu.memory_space<vmem>>, vector<1000x128xf32>
    tpu.vector_store %arg5[%swap3A, %swap3A_43], %add3A_42 {strides = array<i32>} : memref<1000x128xf32, #tpu.memory_space<vmem>>, vector<1000x128xf32>,
    return
  }
  func.func @transform_0(%arg0: i32) -> (i32, i32, i32) {
    %c0_i32 = arith.constant 0 : i32
    %c0_i32_0 = arith.constant 0 : i32
    %c0_i32_1 = arith.constant 0 : i32
    return %c0_i32, %arg0, %c0_i32_0 : i32, i32, i32
  }
  func.func @transform_1(%arg0: i32) -> (i32, i32, i32) {
    %c0_i32 = arith.constant 0 : i32
    %c0_i32_0 = arith.constant 0 : i32
    %c0_i32_1 = arith.constant 0 : i32
    return %c0_i32, %arg0, %c0_i32_0 : i32, i32, i32
  }
  func.func @transform_2(%arg0: i32) -> (i32, i32, i32) {
    %c0_i32 = arith.constant 0 : i32
    %c0_i32_0 = arith.constant 0 : i32
    %c0_i32_1 = arith.constant 0 : i32
    return %c0_i32, %arg0, %c0_i32_0 : i32, i32, i32
  }
  func.func @transform_3(%arg0: i32) -> (i32, i32) {
    %c0_i32 = arith.constant 0 : i32
    %c0_i32_0 = arith.constant 0 : i32
    %c0_i32_1 = arith.constant 0 : i32
    return %c0_i32, %c0_i32_0 : i32, i32
  }
  func.func @transform_4(%arg0: i32) -> (i32, i32) {
    %c0_i32 = arith.constant 0 : i32
    %c0_i32_0 = arith.constant 0 : i32
    return %arg0, %c0_i32 : i32, i32
  }
}

</mosaic_0001>

<sc_bundles>
// kernel: kernel.11.cloned.1.call-start
scs
__scs_entry_jumppad:
0x0: {  	(pc) =	sbr.rel $0x88, $3  }
0x1: {  	(tag) =	ssettag $0x0;
	lr =	simm.s32 $0x1  }
0x2: {  	[smem:$0x3F9B] =	sst lr;
	_ =	strace $0xD0000000  }
0x3: {  	_ = 	snop  }
0x4: {  	_ = 	snop  }
0x5: {  	_ = 	snop  }
0x6: {  	_ = 	snop  }
0x7: {  	_ = 	snop  }
__scs_overlays_trampoline_lowered:
0x8: {  	[smem:$0x3FAA] =	sst s0  }
0x9: {  	[smem:$0x3FAB] =	sst s1  }
0xa: {  	[smem:$0x3FAC] =	sst s2  }
0xb: {  	[smem:$0x3FAD] =	sst s3  }
0xc: {  	[smem:$0x3FAE] =	sst s4  }
0xd: {  	[smem:$0x3FAF] =	sst s5  }
0xe: {  	[smem:$0x3FB0] =	sst s6  }
0xf: {  	[smem:$0x3FB1] =	sst s7  }
0x10: {  	[smem:$0x3FB2] =	sst s8  }
0x11: {  	[smem:$0x3FB3] =	sst s9;
	s0 =	simm.s32 @!p0 $0x0  }
0x12: {  	s1 =	sld [smem:$0x3F99];
	s0 =	simm.s32 @p0 $0x1  }
0x13: {  	[smem:$0x3FB4] =	sst s0;
	s0 =	simm.s32 @!p1 $0x0  }
0x14: {  	s2 =	sld [smem:$0x3F98];
	s0 =	simm.s32 @p1 $0x1  }
0x15: {  	[smem:$0x3FB5] =	sst s0;
	s0 =	simm.s32 @!p2 $0x0  }
0x16: {  	s3 =	sld [smem:$0x3FDB];
	s0 =	simm.s32 @p2 $0x1  }
0x17: {  	s4 =	simm.s32 $0x1BF5;
	[smem:$0x3FB7] =	sst s0  }
0x18: {  	s0 =	sld [smem:$0x3F9A];
	_ =	swait.ge [sflag:s4], $0x0  }
0x19: {  	s7 =	sld [smem:$0x3F9B]  }
0x1a: {  	s8 =	sadd.s32 $0xFFFFE003, lr  }
0x1b: {  	s9 =	sadd.s32 $0xFFFFFEF7, lr;
	s5 =	simm.s32 $0xFFFFFFFF;
	p2 =	slt.u32 s8, $0xFFFFF086  }
0x1c: {  	p1 =	slt.u32 s9, $0xF7A;
	s5 =	simm.s32 @!p2 $0x0  }
0x1d: {  	s5 =	simm.s32 @p1 $0x1;
	p0 =	seq.s32 s7, s2  }
0x1e: {  	s7 =	smul.u32 @!p0 $0xF7A, s2;
	p2 =	seq.s32 @!p0 s5, $0x0  }
0x1f: {  	s9 =	smul.u32 $0xF7A, s1;
	s8 =	simm.s32 @!p0 $0x1BF5;
	p2 =	por !p2, p0  }
0x20: {  	[sflag:s8] =	ssyncset.s32 @!p0 $0xFFFFF086;
	s6 =	sadd.s32 @!p0 s3, s7;
	s7 =	simm.s32 @!p0 $0x108  }
0x21: {  	s3 =	sadd.s32 s3, s9;
	s6 =	sadd.s32 @!p0 $0x88, s6;
	s7 =	simm.s32 @p2 $0x1082  }
0x22: {  	[simem:s7], [sflag:s8] =	dma.local @!p0 [hbm:s6], $0xF7A  }
0x23: {  	s9 =	sor.u32 $0xD0000000, s2;
	s6 =	simm.s32 $0x108;
	_ =	swait.ge @!p0 [sflag:s8], $0x0  }
0x24: {  	s3 =	sadd.s32 $0x88, s3;
	s6 =	simm.s32 @!p1 $0x1082;
	[sflag:s4] =	ssyncset.s32 $0xFFFFF086  }
0x25: {  	[simem:s6], [sflag:s4] =	dma.local [hbm:s3], $0xF7A  }
0x26: {  	[smem:$0x3F9B] =	sst s1;
	(tag) =	ssettag s2;
	_ =	strace s9  }
0x27: {  	s1 =	sld [smem:$0x3FAB]  }
0x28: {  	s2 =	sld [smem:$0x3FAC]  }
0x29: {  	s4 =	sld [smem:$0x3FAE]  }
0x2a: {  	p0 =	seq.s32 s5, $0x0;
	s5 =	sld [smem:$0x3FAF]  }
0x2b: {  	s6 =	sld [smem:$0x3FB0]  }
0x2c: {  	s7 =	sld [smem:$0x3FB1]  }
0x2d: {  	s3 =	simm.s32 $0x108;
	s8 =	sld [smem:$0x3FB2]  }
0x2e: {  	s3 =	simm.s32 @!p0 $0x1082;
	s9 =	sld [smem:$0x3FB3]  }
0x2f: {  	lr =	sadd.s32 s0, s3;
	s0 =	sld [smem:$0x3FAA]  }
0x30: {  	s3 =	sld [smem:$0x3FAD]  }
0x31: {  	[smem:$0x3FB6] =	sst s10  }
0x32: {  	s10 =	sld [smem:$0x3FB4];
	_ =	sdelay $0x3  }
0x33: {  	p0 =	seq.s32 s10, $0x1;
	s10 =	sld [smem:$0x3FB6];
	_ =	sdelay $0x3  }
0x34: {  	[smem:$0x3FB6] =	sst s10  }
0x35: {  	s10 =	sld [smem:$0x3FB5];
	_ =	sdelay $0x3  }
0x36: {  	p1 =	seq.s32 s10, $0x1;
	s10 =	sld [smem:$0x3FB6];
	_ =	sdelay $0x3  }
0x37: {  	[smem:$0x3FB6] =	sst s10  }
0x38: {  	s10 =	sld [smem:$0x3FB7]  }
0x39: {  	_ = 	snop;
	(pc) =	sbr.ind lr, $3  }
0x3a: {  	_ = 	snop  }
0x3b: {  	_ = 	snop  }
0x3c: {  	p2 =	seq.s32 s10, $0x1;
	s10 =	sld [smem:$0x3FB6]  }
0x3d: {  	_ =	shalt  }
0x3e: {  	_ =	shalt  }
0x3f: {  	_ =	shalt  }
0x40: {  	_ =	shalt  }
0x41: {  	_ =	shalt  }
0x42: {  	_ =	shalt  }
0x43: {  	_ =	shalt  }
0x44: {  	_ =	shalt  }
0x45: {  	_ =	shalt  }
0x46: {  	_ =	shalt  }
0x47: {  	_ =	shalt  }
0x48: {  	_ =	shalt  }
0x49: {  	_ =	shalt  }
0x4a: {  	_ =	shalt  }
0x4b: {  	_ =	shalt  }
0x4c: {  	_ =	shalt  }
0x4d: {  	_ =	shalt  }
0x4e: {  	_ =	shalt  }
0x4f: {  	_ =	shalt  }
0x50: {  	_ =	shalt  }
0x51: {  	_ =	shalt  }
0x52: {  	_ =	shalt  }
0x53: {  	_ =	shalt  }
0x54: {  	_ =	shalt  }
0x55: {  	_ =	shalt  }
0x56: {  	_ =	shalt  }
0x57: {  	_ =	shalt  }
0x58: {  	_ =	shalt  }
0x59: {  	_ =	shalt  }
0x5a: {  	_ =	shalt  }
0x5b: {  	_ =	shalt  }
0x5c: {  	_ =	shalt  }
0x5d: {  	_ =	shalt  }
0x5e: {  	_ =	shalt  }
0x5f: {  	_ =	shalt  }
0x60: {  	_ =	shalt  }
0x61: {  	_ =	shalt  }
0x62: {  	_ =	shalt  }
0x63: {  	_ =	shalt  }
0x64: {  	_ =	shalt  }
0x65: {  	_ =	shalt  }
0x66: {  	_ =	shalt  }
0x67: {  	_ =	shalt  }
0x68: {  	_ =	shalt  }
0x69: {  	_ =	shalt  }
0x6a: {  	_ =	shalt  }
0x6b: {  	_ =	shalt  }
0x6c: {  	_ =	shalt  }
0x6d: {  	_ =	shalt  }
0x6e: {  	_ =	shalt  }
0x6f: {  	_ =	shalt  }
0x70: {  	_ =	shalt  }
0x71: {  	_ =	shalt  }
0x72: {  	_ =	shalt  }
0x73: {  	_ =	shalt  }
0x74: {  	_ =	shalt  }
0x75: {  	_ =	shalt  }
0x76: {  	_ =	shalt  }
0x77: {  	_ =	shalt  }
0x78: {  	_ =	shalt  }
0x79: {  	_ =	shalt  }
0x7a: {  	_ =	shalt  }
0x7b: {  	_ =	shalt  }
0x7c: {  	_ =	shalt  }
0x7d: {  	_ =	shalt  }
0x7e: {  	_ =	shalt  }
0x7f: {  	_ =	shalt  }
0x80: {  	_ =	shalt  }
0x81: {  	_ =	shalt  }
0x82: {  	_ =	shalt  }
0x83: {  	_ =	shalt  }
0x84: {  	_ =	shalt  }
0x85: {  	_ =	shalt  }
0x86: {  	_ =	shalt  }
0x87: {  	_ =	shalt  }
.Lfunc_end0:
.L_simem_size_0:
called_computation.1_lowered:
.L_overlay_start_0:
0x88: {  	s2 =	sld [smem:$0x3FD9]  }
0x89: {  	s3 =	sld [smem:$0x3FFE];
	_ =	sdelay $0x1  }
0x8a: {  	s1 =	srdreg.scid  }
0x8b: {  	s0 =	sand.u32 $0x1, s1  }
0x8c: {  	s17 =	sshll.u32 s0, $0xA;
	s2 =	sadd.s32 s3, s2  }
0x8d: {  	s2 =	sadd.s32 s2, s17  }
0x8e: {  	[smem:$0x3FC2] =	sst s2  }
0x8f: {  	_ = 	snop  }
0x90: {  	s2 =	sld [smem:$0x3FD0];
	(tm) =	ssettm $0x1  }
0x91: {  	s18 =	sld [smem:$0x3FFB];
	_ =	sdelay $0x3  }
0x92: {  	_ =	strace s18  }
0x93: {  	s3 =	sld [smem:$0x3FFC];
	_ =	sdelay $0x3  }
0x94: {  	_ =	strace s3  }
0x95: {  	s3 =	sld [smem:$0x3FFD];
	_ =	sdelay $0x3  }
0x96: {  	_ =	strace s3  }
0x97: {  	_ =	strace $0x8FFFFFFF  }
0x98: {  	s19 =	sld [smem:$0x3FDB];
	_ =	sdelay $0x1  }
0x99: {  	s4 =	simm.s32 $_scs_section_size  }
0x9a: {  	s5 =	simm.s32 $_size__tile_overlayer_lowered;
	s6 =	simm.s32 $_tile_overlayer_lowered  }
0x9b: {  	s22 =	simm.s32 $0x1BFF;
	s21 =	sshll.u32 s6, $0x1;
	s3 =	sadd.s32 s4, s19  }
0x9c: {  	s7 =	simm.s32 $0x0;
	s20 =	sshll.u32 s5, $0x1;
	s5 =	sadd.s32 s21, s3  }
0x9d: {  	[timem:s7], [sflag:s22] =	dma.local [hbm:s5], s20  }
0x9e: {  	_ =	swait.ge [sflag:s22], s20  }
0x9f: {  	s4 =	ssub.s32 $0x0, s20;
	[sflag:s22] =	ssyncset.done $0x0  }
0xa0: {  	[sflag:s22] =	ssyncadd.s32 s4;
	_ =	sdelay $0x1  }
0xa1: {  	s23 =	simm.s32 $0x1B8B  }
0xa2: {  	_ =	swait.ge [sflag:s23], $0x1  }
0xa3: {  	[sflag:s23] =	ssyncset.done $0x0  }
0xa4: {  	s25 =	simm.s32 $0x1B8E;
	s24 =	sld [smem:$0x3FFE];
	[sflag:s23] =	ssyncadd.s32 $0xFFFFFFFF  }
0xa5: {  	s26 =	simm.s32 $execute0_lowered;
	[smem:$0x3FD2] =	sst s25  }
0xa6: {  	s5 =	sshll.u32 s26, $0x1;
	_ =	strace $0x80000049;
	[dreg:$0x1] =	wrdreg $0xFFFFFFFF  }
0xa7: {  	s28 =	simm.s32 $_size_execute0_lowered;
	s3 =	sadd.s32 s3, s5;
	[dreg:$0x0] =	wrdreg $0x0  }
0xa8: {  	s5 =	sshll.u32 s28, $0x1;
	[dreg:$0x2] =	wrdreg s3  }
0xa9: {  	[dreg:$0x3] =	wrdreg s5  }
0xaa: {  	[dreg:$0x4] =	wrdreg $0xC0  }
0xab: {  	_ =	task [dreg:s7], $0x5FFFF  }
0xac: {  	[dreg:$0x1] =	wrdreg $0xFFFFFFFF  }
0xad: {  	[dreg:$0x0] =	wrdreg $0x60  }
0xae: {  	[dreg:$0x2] =	wrdreg s24  }
0xaf: {  	[dreg:$0x3] =	wrdreg s2  }
0xb0: {  	[dreg:$0x4] =	wrdreg $0x0  }
0xb1: {  	[dreg:$0x5] =	wrdreg $0x9  }
0xb2: {  	_ =	task.clear_ibuf [dreg:s7], $0x6FFFF;
	_ =	strace $0x90000049  }
0xb3: {  	s29 =	simm.s32 $0x9;
	_ =	strace $0x8000004B  }
0xb4: {  	_ =	swait.ge [sflag:s29], $0x1  }
0xb5: {  	[sflag:s29] =	ssyncadd.s32 $0xFFFFFFFF  }
0xb6: {  	_ =	strace $0x9000004B  }
0xb7: {  	_ =	sfence  }
0xb8: {  	s30 =	sld [smem:$0x0];
	_ =	sdelay $0x2  }
0xb9: {  	s31 =	sshll.u32 s1, $0xD;
	s1 =	sshrl.u32 s1, $0x2  }
0xba: {  	s3 =	sand.u32 $0x4000, s31;
	s1 =	sadd.s32 s1, s30  }
0xbb: {  	s0 =	sor.u32 s3, s0;
	s1 =	sshll.u32 s1, $0x11  }
0xbc: {  	s0 =	sor.u32 s1, s0  }
0xbd: {  	s0 =	sadd.s32 $0x8F2B, s0  }
0xbe: {  	[sflag:s0] =	ssyncadd.remote.s32 $0x1  }
0xbf: {  	_ =	sfence.sel $0xFFFF  }
0xc0: {  	[dreg:$0x0] =	wrdreg $0xFFFFFFFF;
	(pc) =	sbr.abs _section_cstart, $3  }
0xc1: {  	[dreg:$0x1] =	wrdreg $0xFFFFFFFF  }
0xc2: {  	_ =	task.clear_ibuf [dreg:s7], $0x2FFFF;
	_ =	strace $0x9FFFFFFF  }
0xc3: {  	(tm) =	ssettm $0x7FFFFFFF  }
tec
execute0_lowered:
.L_overlay_start_1:
0x0: {  	(tag) =	ssettag $0x1  }
0x1: {  	s0 =	rddreg [dreg:$0x0]  }
0x2: {  	s1 =	rddreg [dreg:$0x1]  }
0x3: {  	s2 =	rddreg [dreg:$0x2];
	s13 =	stileid.u32;
	s3 =	simm.s32 $0x0  }
0x4: {  	s4 =	srdreg.scid;
	s15 =	simm.s32 $0x80;
	s16 =	simm.s32 $0x13E00  }
0x5: {  	s18 =	simm.s32 $0x15E00;
	s20 =	simm.s32 $0x17E00;
	s21 =	simm.s32 $0x19E00  }
0x6: {  	s22 =	simm.s32 $0x1;
	s23 =	simm.s32 $0x2;
	s28 =	simm.s32 $0x13C00  }
0x7: {  	s29 =	simm.s32 $0x13C80;
	s30 =	simm.s32 $0x13D00;
	s5 =	smul.u32 $0xA00, s13  }
0x8: {  	s31 =	simm.s32 $0x13D80;
	[smem:$0x7FF] =	sst s3;
	s6 =	smul.u32 $0x9E00, s13  }
0x9: {  	s7 =	sand.u32 $0x1, s4;
	s4 =	sadd.s32 $0x15800, s0;
	s26 =	sshll.u32 s13, $0x6  }
0xa: {  	_ =	strace $0x8000004A;
	s8 =	smul.u32 $0x9E000, s7;
	s10 =	sshll.u32 s7, $0x4  }
0xb: {  	s7 =	ssub.s32 $0x2, s7;
	s9 =	sadd.s32 s5, s0;
	s24 =	sshrl.u32 s6, $0x3  }
0xc: {  	s10 =	sor.u32 s13, s10;
	s25 =	sshrl.u32 s7, $0x1;
	s12 =	sadd.s32 s6, s2  }
0xd: {  	s13 =	simm.s32 $0x9E00;
	s5 =	sadd.s32 s24, s0;
	s8 =	sadd.s32 s6, s8  }
0xe: {  	s10 =	smul.u32 $0xA00, s10;
	s11 =	ssub.s32 s7, s25;
	s6 =	sor.u32 $0x1C05, s26  }
0xf: {  	s24 =	simm.s32 $0x3;
	s25 =	simm.s32 $0x4;
	s8 =	sshrl.u32 s8, $0x3  }
0x10: {  	s5 =	sadd.s32 $0xDB800, s5;
	s0 =	sadd.s32 s8, s0;
	s7 =	sadd.s32 s1, s10  }
0x11: {  	s8 =	sadd.s32 $0xB800, s9;
	s10 =	smax.u32 s11, $0x1;
	s11 =	sshrl.u32 s12, $0x3  }
0x12: {  	s12 =	simm.s32 $0x5;
	s9 =	sadd.s32 $0xEF400, s0;
	s0 =	simm.s32 $0x0  }
.LBB2_1:
0x13: {  	[spmem:s11], [sflag:s6] =	dma.local [hbm:s5], $0x13C0  }
0x14: {  	_ =	swait.ge [sflag:s12], $0x13C0  }
0x15: {  	[sflag:s12] =	ssyncset.done $0x0  }
0x16: {  	[sflag:s12] =	ssyncadd.s32 $0xFFFFEC40  }
0x17: {  	[tilespmem:s13], [sflag:$0x5] =	stream.linear.gather [hbm4b:s7+s3], $0x5000, $0x38;
	[tilespmem:$0x1BE00] =	vst v63  }
0x18: {  	_ =	swait.ge [sflag:s12], $0x5000  }
0x19: {  	[sflag:s12] =	ssyncset.done $0x0  }
0x1a: {  	s1 =	simm.s32 $0xEE00;
	[sflag:s12] =	ssyncadd.s32 $0xFFFFB000  }
0x1b: {  	[tilespmem:s1], [sflag:$0x5] =	stream.linear.gather [hbm4b:s8+s3], $0x5000, $0x38;
	[tilespmem:$0x1BE00] =	vst v63  }
0x1c: {  	_ =	swait.ge [sflag:s12], $0x5000  }
0x1d: {  	[sflag:s12] =	ssyncset.done $0x0  }
0x1e: {  	[sflag:s12] =	ssyncadd.s32 $0xFFFFB000  }
0x1f: {  	[bflag:$0x0] =	sbarrier.arrive $0xFFFF  }
0x20: {  	[tilespmem:s16], [sflag:$0x1] =	stream.indirect.gather [hbm4b:s4+s15], $0x40, s13, s15, $0xb8;
	[tilespmem:$0x1BE00] =	vst v63  }
0x21: {  	s19 =	simm.s32 $0x9E80  }
0x22: {  	[tilespmem:s18], [sflag:$0x2] =	stream.indirect.gather [hbm4b:s4+s15], $0x40, s19, s15, $0xb8;
	[tilespmem:$0x1BE00] =	vst v63  }
0x23: {  	s26 =	simm.s32 $0x9F00  }
0x24: {  	[tilespmem:s20], [sflag:$0x3] =	stream.indirect.gather [hbm4b:s4+s15], $0x40, s26, s15, $0xb8;
	[tilespmem:$0x1BE00] =	vst v63  }
0x25: {  	s14 =	simm.s32 $0x9F80  }
0x26: {  	[tilespmem:s21], [sflag:$0x4] =	stream.indirect.gather [hbm4b:s4+s15], $0x40, s14, s15, $0xb8;
	[tilespmem:$0x1BE00] =	vst v63  }
0x27: {  	_ =	swait.ge [sflag:s22], $0x2000  }
0x28: {  	[sflag:s22] =	ssyncset.done $0x0  }
0x29: {  	s17 =	simm.s32 $0xEE00;
	[sflag:s22] =	ssyncadd.s32 $0xFFFFE000  }
0x2a: {  	[spmem:s2] =	stream.indirect.scatter.add.f32 [tilespmem:s16], [sflag:$0x5], $0x40, s17, s15, $0xb8;
	[tilespmem:$0x1BE00] =	vst v63  }
0x2b: {  	_ =	swait.ge [sflag:s12], $0x2000  }
0x2c: {  	[sflag:s12] =	ssyncset.done $0x0  }
0x2d: {  	s19 =	simm.s32 $0xA000;
	[sflag:s12] =	ssyncadd.s32 $0xFFFFE000  }
0x2e: {  	[tilespmem:s16], [sflag:$0x1] =	stream.indirect.gather [hbm4b:s4+s15], $0x40, s19, s15, $0xb8;
	[tilespmem:$0x1BE00] =	vst v63  }
0x2f: {  	_ =	swait.ge [sflag:s23], $0x2000  }
0x30: {  	[sflag:s23] =	ssyncset.done $0x0  }
0x31: {  	s26 =	simm.s32 $0xEE80;
	[sflag:s23] =	ssyncadd.s32 $0xFFFFE000  }
0x32: {  	[spmem:s2] =	stream.indirect.scatter.add.f32 [tilespmem:s18], [sflag:$0x5], $0x40, s26, s15, $0xb8;
	[tilespmem:$0x1BE00] =	vst v63  }
0x33: {  	_ =	swait.ge [sflag:s12], $0x2000  }
0x34: {  	[sflag:s12] =	ssyncset.done $0x0  }
0x35: {  	s14 =	simm.s32 $0xA080;
	[sflag:s12] =	ssyncadd.s32 $0xFFFFE000  }
0x36: {  	[tilespmem:s18], [sflag:$0x2] =	stream.indirect.gather [hbm4b:s4+s15], $0x40, s14, s15, $0xb8;
	[tilespmem:$0x1BE00] =	vst v63  }
0x37: {  	_ =	swait.ge [sflag:s24], $0x2000  }
0x38: {  	[sflag:s24] =	ssyncset.done $0x0  }
0x39: {  	s17 =	simm.s32 $0xEF00;
	[sflag:s24] =	ssyncadd.s32 $0xFFFFE000  }
0x3a: {  	[spmem:s2] =	stream.indirect.scatter.add.f32 [tilespmem:s20], [sflag:$0x5], $0x40, s17, s15, $0xb8;
	[tilespmem:$0x1BE00] =	vst v63  }
0x3b: {  	_ =	swait.ge [sflag:s12], $0x2000  }
0x3c: {  	[sflag:s12] =	ssyncset.done $0x0  }
0x3d: {  	s19 =	simm.s32 $0xA100;
	[sflag:s12] =	ssyncadd.s32 $0xFFFFE000  }
0x3e: {  	[tilespmem:s20], [sflag:$0x3] =	stream.indirect.gather [hbm4b:s4+s15], $0x40, s19, s15, $0xb8;
	[tilespmem:$0x1BE00] =	vst v63  }
0x3f: {  	_ =	swait.ge [sflag:s25], $0x2000  }
0x40: {  	[sflag:s25] =	ssyncset.done $0x0  }
0x41: {  	s26 =	simm.s32 $0xEF80;
	[sflag:s25] =	ssyncadd.s32 $0xFFFFE000  }
0x42: {  	[spmem:s2] =	stream.indirect.scatter.add.f32 [tilespmem:s21], [sflag:$0x5], $0x40, s26, s15, $0xb8;
	[tilespmem:$0x1BE00] =	vst v63  }
0x43: {  	_ =	swait.ge [sflag:s12], $0x2000  }
0x44: {  	s1 =	simm.s32 $0x200;
	s14 =	simm.s32 $0x1000;
	[sflag:s12] =	ssyncset.done $0x0  }
.LBB2_2:
0x45: {  	s26 =	sadd.s32 $0x9F80, s1  }
0x46: {  	[sflag:s12] =	ssyncadd.s32 $0xFFFFE000;
	s17 =	smov.u32 s14;
	s19 =	sadd.s32 $0x800, s14  }
0x47: {  	[tilespmem:s21], [sflag:$0x4] =	stream.indirect.gather [hbm4b:s4+s15], $0x40, s26, s15, $0xb8;
	[tilespmem:$0x1BE00] =	vst v63  }
0x48: {  	p0 =	sne.s32 s14, $0x13000;
	_ =	swait.ge [sflag:s22], $0x2000  }
0x49: {  	[sflag:s22] =	ssyncset.done $0x0  }
0x4a: {  	s14 =	sadd.s32 $0xEE00, s1;
	[sflag:s22] =	ssyncadd.s32 $0xFFFFE000  }
0x4b: {  	[spmem:s2] =	stream.indirect.scatter.add.f32 [tilespmem:s16], [sflag:$0x5], $0x40, s14, s15, $0xb8;
	[tilespmem:$0x1BE00] =	vst v63  }
0x4c: {  	_ =	swait.ge [sflag:s12], $0x2000  }
0x4d: {  	[sflag:s12] =	ssyncset.done $0x0  }
0x4e: {  	s14 =	sadd.s32 $0xA000, s1;
	[sflag:s12] =	ssyncadd.s32 $0xFFFFE000  }
0x4f: {  	[tilespmem:s16], [sflag:$0x1] =	stream.indirect.gather [hbm4b:s4+s15], $0x40, s14, s15, $0xb8;
	[tilespmem:$0x1BE00] =	vst v63  }
0x50: {  	_ =	swait.ge [sflag:s23], $0x2000  }
0x51: {  	[sflag:s23] =	ssyncset.done $0x0  }
0x52: {  	s14 =	sadd.s32 $0xEE80, s1;
	[sflag:s23] =	ssyncadd.s32 $0xFFFFE000  }
0x53: {  	[spmem:s2] =	stream.indirect.scatter.add.f32 [tilespmem:s18], [sflag:$0x5], $0x40, s14, s15, $0xb8;
	[tilespmem:$0x1BE00] =	vst v63  }
0x54: {  	_ =	swait.ge [sflag:s12], $0x2000  }
0x55: {  	[sflag:s12] =	ssyncset.done $0x0  }
0x56: {  	s14 =	sadd.s32 $0xA080, s1;
	[sflag:s12] =	ssyncadd.s32 $0xFFFFE000  }
0x57: {  	[tilespmem:s18], [sflag:$0x2] =	stream.indirect.gather [hbm4b:s4+s15], $0x40, s14, s15, $0xb8;
	[tilespmem:$0x1BE00] =	vst v63  }
0x58: {  	_ =	swait.ge [sflag:s24], $0x2000  }
0x59: {  	[sflag:s24] =	ssyncset.done $0x0  }
0x5a: {  	s14 =	sadd.s32 $0xEF00, s1;
	[sflag:s24] =	ssyncadd.s32 $0xFFFFE000  }
0x5b: {  	[spmem:s2] =	stream.indirect.scatter.add.f32 [tilespmem:s20], [sflag:$0x5], $0x40, s14, s15, $0xb8;
	[tilespmem:$0x1BE00] =	vst v63  }
0x5c: {  	_ =	swait.ge [sflag:s12], $0x2000  }
0x5d: {  	[sflag:s12] =	ssyncset.done $0x0  }
0x5e: {  	s14 =	sadd.s32 $0xA100, s1;
	[sflag:s12] =	ssyncadd.s32 $0xFFFFE000  }
0x5f: {  	[tilespmem:s20], [sflag:$0x3] =	stream.indirect.gather [hbm4b:s4+s15], $0x40, s14, s15, $0xb8;
	[tilespmem:$0x1BE00] =	vst v63  }
0x60: {  	_ =	swait.ge [sflag:s25], $0x2000  }
.Ltmp0:
0x61: {  	[sflag:s25] =	ssyncset.done $0x0;
	(pc) =	sbr.rel @p0 .LBB2_2-.Ltmp0, $4  }
0x62: {  	s1 =	sadd.s32 $0xEF80, s1;
	[sflag:s25] =	ssyncadd.s32 $0xFFFFE000  }
0x63: {  	[spmem:s2] =	stream.indirect.scatter.add.f32 [tilespmem:s21], [sflag:$0x5], $0x40, s1, s15, $0xb8;
	[tilespmem:$0x1BE00] =	vst v63  }
0x64: {  	_ =	swait.ge [sflag:s12], $0x2000  }
0x65: {  	s14 =	smov.u32 s19;
	s1 =	sshra.s32 s17, $0x2;
	[sflag:s12] =	ssyncset.done $0x0  }
0x66: {  	s14 =	sadd.s32 $0x9F80, s1;
	[sflag:s12] =	ssyncadd.s32 $0xFFFFE000  }
0x67: {  	[tilespmem:s21], [sflag:$0x4] =	stream.indirect.gather [hbm4b:s4+s15], $0x40, s14, s15, $0xb8;
	[tilespmem:$0x1BE00] =	vst v63  }
0x68: {  	_ =	swait.ge [sflag:s22], $0x2000  }
0x69: {  	[sflag:s22] =	ssyncset.done $0x0  }
0x6a: {  	s19 =	sadd.s32 $0xEE00, s1;
	[sflag:s22] =	ssyncadd.s32 $0xFFFFE000  }
0x6b: {  	[spmem:s2] =	stream.indirect.scatter.add.f32 [tilespmem:s16], [sflag:$0x5], $0x40, s19, s15, $0xb8;
	[tilespmem:$0x1BE00] =	vst v63  }
0x6c: {  	_ =	swait.ge [sflag:s12], $0x2000  }
0x6d: {  	[sflag:s12] =	ssyncset.done $0x0  }
0x6e: {  	s26 =	sadd.s32 $0xA000, s1;
	[sflag:s12] =	ssyncadd.s32 $0xFFFFE000  }
0x6f: {  	[tilespmem:s16], [sflag:$0x1] =	stream.indirect.gather [hbm4b:s4+s15], $0x40, s26, s15, $0xb8;
	[tilespmem:$0x1BE00] =	vst v63  }
0x70: {  	_ =	swait.ge [sflag:s23], $0x2000  }
0x71: {  	[sflag:s23] =	ssyncset.done $0x0  }
0x72: {  	s17 =	sadd.s32 $0xEE80, s1;
	[sflag:s23] =	ssyncadd.s32 $0xFFFFE000  }
0x73: {  	[spmem:s2] =	stream.indirect.scatter.add.f32 [tilespmem:s18], [sflag:$0x5], $0x40, s17, s15, $0xb8;
	[tilespmem:$0x1BE00] =	vst v63  }
0x74: {  	_ =	swait.ge [sflag:s12], $0x2000  }
0x75: {  	[sflag:s12] =	ssyncset.done $0x0  }
0x76: {  	s19 =	sadd.s32 $0xA080, s1;
	[sflag:s12] =	ssyncadd.s32 $0xFFFFE000  }
0x77: {  	[tilespmem:s18], [sflag:$0x2] =	stream.indirect.gather [hbm4b:s4+s15], $0x40, s19, s15, $0xb8;
	[tilespmem:$0x1BE00] =	vst v63  }
0x78: {  	_ =	swait.ge [sflag:s24], $0x2000  }
0x79: {  	[sflag:s24] =	ssyncset.done $0x0  }
0x7a: {  	s26 =	sadd.s32 $0xEF00, s1;
	[sflag:s24] =	ssyncadd.s32 $0xFFFFE000  }
0x7b: {  	[spmem:s2] =	stream.indirect.scatter.add.f32 [tilespmem:s20], [sflag:$0x5], $0x40, s26, s15, $0xb8;
	[tilespmem:$0x1BE00] =	vst v63  }
0x7c: {  	_ =	swait.ge [sflag:s12], $0x2000  }
0x7d: {  	[sflag:s12] =	ssyncset.done $0x0  }
0x7e: {  	s17 =	sadd.s32 $0xA100, s1;
	[sflag:s12] =	ssyncadd.s32 $0xFFFFE000  }
0x7f: {  	[tilespmem:s20], [sflag:$0x3] =	stream.indirect.gather [hbm4b:s4+s15], $0x40, s17, s15, $0xb8;
	[tilespmem:$0x1BE00] =	vst v63  }
0x80: {  	_ =	swait.ge [sflag:s25], $0x2000  }
0x81: {  	[sflag:s25] =	ssyncset.done $0x0  }
0x82: {  	s19 =	sadd.s32 $0xEF80, s1;
	[sflag:s25] =	ssyncadd.s32 $0xFFFFE000  }
0x83: {  	[spmem:s2] =	stream.indirect.scatter.add.f32 [tilespmem:s21], [sflag:$0x5], $0x40, s19, s15, $0xb8;
	[tilespmem:$0x1BE00] =	vst v63  }
0x84: {  	_ =	swait.ge [sflag:s12], $0x2000  }
0x85: {  	[sflag:s12] =	ssyncset.done $0x0  }
0x86: {  	s26 =	simm.s32 $0xED80;
	[sflag:s12] =	ssyncadd.s32 $0xFFFFE000  }
0x87: {  	[tilespmem:s21], [sflag:$0x4] =	stream.indirect.gather [hbm4b:s4+s15], $0x40, s26, s15, $0xb8;
	[tilespmem:$0x1BE00] =	vst v63  }
0x88: {  	_ =	swait.ge [sflag:s22], $0x2000  }
0x89: {  	[sflag:s22] =	ssyncset.done $0x0  }
0x8a: {  	[sflag:s22] =	ssyncadd.s32 $0xFFFFE000  }
0x8b: {  	[spmem:s2] =	stream.indirect.scatter.add.f32 [tilespmem:s16], [sflag:$0x5], $0x40, s28, s15, $0xb8;
	[tilespmem:$0x1BE00] =	vst v63  }
0x8c: {  	_ =	swait.ge [sflag:s12], $0x2000  }
0x8d: {  	[sflag:s12] =	ssyncset.done $0x0  }
0x8e: {  	[sflag:s12] =	ssyncadd.s32 $0xFFFFE000  }
0x8f: {  	_ =	swait.ge [sflag:s23], $0x2000  }
0x90: {  	[sflag:s23] =	ssyncset.done $0x0  }
0x91: {  	[sflag:s23] =	ssyncadd.s32 $0xFFFFE000  }
0x92: {  	[spmem:s2] =	stream.indirect.scatter.add.f32 [tilespmem:s18], [sflag:$0x5], $0x40, s29, s15, $0xb8;
	[tilespmem:$0x1BE00] =	vst v63  }
0x93: {  	_ =	swait.ge [sflag:s12], $0x2000  }
0x94: {  	[sflag:s12] =	ssyncset.done $0x0  }
0x95: {  	[sflag:s12] =	ssyncadd.s32 $0xFFFFE000  }
0x96: {  	_ =	swait.ge [sflag:s24], $0x2000  }
0x97: {  	[sflag:s24] =	ssyncset.done $0x0  }
0x98: {  	[sflag:s24] =	ssyncadd.s32 $0xFFFFE000  }
0x99: {  	[spmem:s2] =	stream.indirect.scatter.add.f32 [tilespmem:s20], [sflag:$0x5], $0x40, s30, s15, $0xb8;
	[tilespmem:$0x1BE00] =	vst v63  }
0x9a: {  	_ =	swait.ge [sflag:s12], $0x2000  }
0x9b: {  	[sflag:s12] =	ssyncset.done $0x0  }
0x9c: {  	[sflag:s12] =	ssyncadd.s32 $0xFFFFE000  }
0x9d: {  	_ =	swait.ge [sflag:s25], $0x2000  }
0x9e: {  	[sflag:s25] =	ssyncset.done $0x0  }
0x9f: {  	[sflag:s25] =	ssyncadd.s32 $0xFFFFE000  }
0xa0: {  	[spmem:s2] =	stream.indirect.scatter.add.f32 [tilespmem:s21], [sflag:$0x5], $0x40, s31, s15, $0xb8;
	[tilespmem:$0x1BE00] =	vst v63  }
0xa1: {  	_ =	swait.ge [sflag:s12], $0x2000  }
0xa2: {  	s0 =	sadd.s32 $0x1, s0;
	[sflag:s12] =	ssyncset.done $0x0  }
0xa3: {  	p0 =	sne.s32 s0, s10;
	[sflag:s12] =	ssyncadd.s32 $0xFFFFE000  }
.Ltmp1:
0xa4: {  	[bflag:$0x0] =	sbarrier.arrive $0xFFFF;
	(pc) =	sbr.rel @p0 .LBB2_1-.Ltmp1, $4  }
0xa5: {  	[hbm:s9], [sflag:s6] =	dma.local [spmem:s11], $0x13C0  }
0xa6: {  	_ =	swait.ge [sflag:s12], $0x13C0  }
0xa7: {  	[sflag:s12] =	ssyncset.done $0x0  }
0xa8: {  	[sflag:s12] =	ssyncadd.s32 $0xFFFFEC40  }
0xa9: {  	_ =	sfence.sel $0x180000  }
0xaa: {  	[bflag:$0x0] =	sbarrier.arrive $0xFFFF  }
0xab: {  	_ =	strace $0x9000004A  }
0xac: {  	s0 =	stileid.u32;
	[bflag:$0x2] =	sbarrier.arrive $0xFFFF  }
0xad: {  	p0 =	sne.s32 s0, $0x0;
	s0 =	rddreg [dreg:$0x3]  }
0xae: {  	s0 =	sadd.s32 @!p0 $0x100000, s0  }
0xaf: {  	[sflag:s0] =	ssyncadd.tile.s32 @!p0 $0x1;
	_ =	shalt  }
.Lfunc_end2:
_tile_overlayer_lowered:
.L_overlay_start_2:
0xb0: {  	(tag) =	ssettag $0x2  }
0xb1: {  	s0 =	rddreg [dreg:$0x0];
	s2 =	stileid.u32  }
0xb2: {  	s1 =	rddreg [dreg:$0x1];
	p0 =	sne.s32 s2, $0x0  }
0xb3: {  	s3 =	rddreg [dreg:$0x2];
	[bflag:$0x3] =	sbarrier.arrive $0xFFFF;
	s2 =	simm.s32 @!p0 $0x1C05  }
0xb4: {  	[timem:s3], [sflag:s2] =	dma.local @!p0 [hbm:s0], s1  }
0xb5: {  	s0 =	simm.s32 @!p0 $0x5  }
0xb6: {  	_ =	swait.ge @!p0 [sflag:s0], s1  }
0xb7: {  	s1 =	ssub.s32 @!p0 $0x0, s1;
	[sflag:s0] =	ssyncset.done @!p0 $0x0  }
0xb8: {  	[sflag:s0] =	ssyncadd.s32 @!p0 s1  }
0xb9: {  	[bflag:$0x3] =	sbarrier.arrive $0xFFFF  }
0xba: {  	_ =	shalt  }

// kernel: kernel.14.cloned.1.call-start
scs
__scs_entry_jumppad:
0x0: {  	(pc) =	sbr.rel $0x88, $3  }
0x1: {  	(tag) =	ssettag $0x0;
	lr =	simm.s32 $0x1  }
0x2: {  	[smem:$0x3F9B] =	sst lr;
	_ =	strace $0xD0000000  }
0x3: {  	_ = 	snop  }
0x4: {  	_ = 	snop  }
0x5: {  	_ = 	snop  }
0x6: {  	_ = 	snop  }
0x7: {  	_ = 	snop  }
__scs_overlays_trampoline_lowered:
0x8: {  	[smem:$0x3FAA] =	sst s0  }
0x9: {  	[smem:$0x3FAB] =	sst s1  }
0xa: {  	[smem:$0x3FAC] =	sst s2  }
0xb: {  	[smem:$0x3FAD] =	sst s3  }
0xc: {  	[smem:$0x3FAE] =	sst s4  }
0xd: {  	[smem:$0x3FAF] =	sst s5  }
0xe: {  	[smem:$0x3FB0] =	sst s6  }
0xf: {  	[smem:$0x3FB1] =	sst s7  }
0x10: {  	[smem:$0x3FB2] =	sst s8  }
0x11: {  	[smem:$0x3FB3] =	sst s9;
	s0 =	simm.s32 @!p0 $0x0  }
0x12: {  	s1 =	sld [smem:$0x3F99];
	s0 =	simm.s32 @p0 $0x1  }
0x13: {  	[smem:$0x3FB4] =	sst s0;
	s0 =	simm.s32 @!p1 $0x0  }
0x14: {  	s2 =	sld [smem:$0x3F98];
	s0 =	simm.s32 @p1 $0x1  }
0x15: {  	[smem:$0x3FB5] =	sst s0;
	s0 =	simm.s32 @!p2 $0x0  }
0x16: {  	s3 =	sld [smem:$0x3FDB];
	s0 =	simm.s32 @p2 $0x1  }
0x17: {  	s4 =	simm.s32 $0x1BF5;
	[smem:$0x3FB7] =	sst s0  }
0x18: {  	s0 =	sld [smem:$0x3F9A];
	_ =	swait.ge [sflag:s4], $0x0  }
0x19: {  	s7 =	sld [smem:$0x3F9B]  }
0x1a: {  	s8 =	sadd.s32 $0xFFFFE003, lr  }
0x1b: {  	s9 =	sadd.s32 $0xFFFFFEF7, lr;
	s5 =	simm.s32 $0xFFFFFFFF;
	p2 =	slt.u32 s8, $0xFFFFF086  }
0x1c: {  	p1 =	slt.u32 s9, $0xF7A;
	s5 =	simm.s32 @!p2 $0x0  }
0x1d: {  	s5 =	simm.s32 @p1 $0x1;
	p0 =	seq.s32 s7, s2  }
0x1e: {  	s7 =	smul.u32 @!p0 $0xF7A, s2;
	p2 =	seq.s32 @!p0 s5, $0x0  }
0x1f: {  	s9 =	smul.u32 $0xF7A, s1;
	s8 =	simm.s32 @!p0 $0x1BF5;
	p2 =	por !p2, p0  }
0x20: {  	[sflag:s8] =	ssyncset.s32 @!p0 $0xFFFFF086;
	s6 =	sadd.s32 @!p0 s3, s7;
	s7 =	simm.s32 @!p0 $0x108  }
0x21: {  	s3 =	sadd.s32 s3, s9;
	s6 =	sadd.s32 @!p0 $0x88, s6;
	s7 =	simm.s32 @p2 $0x1082  }
0x22: {  	[simem:s7], [sflag:s8] =	dma.local @!p0 [hbm:s6], $0xF7A  }
0x23: {  	s9 =	sor.u32 $0xD0000000, s2;
	s6 =	simm.s32 $0x108;
	_ =	swait.ge @!p0 [sflag:s8], $0x0  }
0x24: {  	s3 =	sadd.s32 $0x88, s3;
	s6 =	simm.s32 @!p1 $0x1082;
	[sflag:s4] =	ssyncset.s32 $0xFFFFF086  }
0x25: {  	[simem:s6], [sflag:s4] =	dma.local [hbm:s3], $0xF7A  }
0x26: {  	[smem:$0x3F9B] =	sst s1;
	(tag) =	ssettag s2;
	_ =	strace s9  }
0x27: {  	s1 =	sld [smem:$0x3FAB]  }
0x28: {  	s2 =	sld [smem:$0x3FAC]  }
0x29: {  	s4 =	sld [smem:$0x3FAE]  }
0x2a: {  	p0 =	seq.s32 s5, $0x0;
	s5 =	sld [smem:$0x3FAF]  }
0x2b: {  	s6 =	sld [smem:$0x3FB0]  }
0x2c: {  	s7 =	sld [smem:$0x3FB1]  }
0x2d: {  	s3 =	simm.s32 $0x108;
	s8 =	sld [smem:$0x3FB2]  }
0x2e: {  	s3 =	simm.s32 @!p0 $0x1082;
	s9 =	sld [smem:$0x3FB3]  }
0x2f: {  	lr =	sadd.s32 s0, s3;
	s0 =	sld [smem:$0x3FAA]  }
0x30: {  	s3 =	sld [smem:$0x3FAD]  }
0x31: {  	[smem:$0x3FB6] =	sst s10  }
0x32: {  	s10 =	sld [smem:$0x3FB4];
	_ =	sdelay $0x3  }
0x33: {  	p0 =	seq.s32 s10, $0x1;
	s10 =	sld [smem:$0x3FB6];
	_ =	sdelay $0x3  }
0x34: {  	[smem:$0x3FB6] =	sst s10  }
0x35: {  	s10 =	sld [smem:$0x3FB5];
	_ =	sdelay $0x3  }
0x36: {  	p1 =	seq.s32 s10, $0x1;
	s10 =	sld [smem:$0x3FB6];
	_ =	sdelay $0x3  }
0x37: {  	[smem:$0x3FB6] =	sst s10  }
0x38: {  	s10 =	sld [smem:$0x3FB7]  }
0x39: {  	_ = 	snop;
	(pc) =	sbr.ind lr, $3  }
0x3a: {  	_ = 	snop  }
0x3b: {  	_ = 	snop  }
0x3c: {  	p2 =	seq.s32 s10, $0x1;
	s10 =	sld [smem:$0x3FB6]  }
0x3d: {  	_ =	shalt  }
0x3e: {  	_ =	shalt  }
0x3f: {  	_ =	shalt  }
0x40: {  	_ =	shalt  }
0x41: {  	_ =	shalt  }
0x42: {  	_ =	shalt  }
0x43: {  	_ =	shalt  }
0x44: {  	_ =	shalt  }
0x45: {  	_ =	shalt  }
0x46: {  	_ =	shalt  }
0x47: {  	_ =	shalt  }
0x48: {  	_ =	shalt  }
0x49: {  	_ =	shalt  }
0x4a: {  	_ =	shalt  }
0x4b: {  	_ =	shalt  }
0x4c: {  	_ =	shalt  }
0x4d: {  	_ =	shalt  }
0x4e: {  	_ =	shalt  }
0x4f: {  	_ =	shalt  }
0x50: {  	_ =	shalt  }
0x51: {  	_ =	shalt  }
0x52: {  	_ =	shalt  }
0x53: {  	_ =	shalt  }
0x54: {  	_ =	shalt  }
0x55: {  	_ =	shalt  }
0x56: {  	_ =	shalt  }
0x57: {  	_ =	shalt  }
0x58: {  	_ =	shalt  }
0x59: {  	_ =	shalt  }
0x5a: {  	_ =	shalt  }
0x5b: {  	_ =	shalt  }
0x5c: {  	_ =	shalt  }
0x5d: {  	_ =	shalt  }
0x5e: {  	_ =	shalt  }
0x5f: {  	_ =	shalt  }
0x60: {  	_ =	shalt  }
0x61: {  	_ =	shalt  }
0x62: {  	_ =	shalt  }
0x63: {  	_ =	shalt  }
0x64: {  	_ =	shalt  }
0x65: {  	_ =	shalt  }
0x66: {  	_ =	shalt  }
0x67: {  	_ =	shalt  }
0x68: {  	_ =	shalt  }
0x69: {  	_ =	shalt  }
0x6a: {  	_ =	shalt  }
0x6b: {  	_ =	shalt  }
0x6c: {  	_ =	shalt  }
0x6d: {  	_ =	shalt  }
0x6e: {  	_ =	shalt  }
0x6f: {  	_ =	shalt  }
0x70: {  	_ =	shalt  }
0x71: {  	_ =	shalt  }
0x72: {  	_ =	shalt  }
0x73: {  	_ =	shalt  }
0x74: {  	_ =	shalt  }
0x75: {  	_ =	shalt  }
0x76: {  	_ =	shalt  }
0x77: {  	_ =	shalt  }
0x78: {  	_ =	shalt  }
0x79: {  	_ =	shalt  }
0x7a: {  	_ =	shalt  }
0x7b: {  	_ =	shalt  }
0x7c: {  	_ =	shalt  }
0x7d: {  	_ =	shalt  }
0x7e: {  	_ =	shalt  }
0x7f: {  	_ =	shalt  }
0x80: {  	_ =	shalt  }
0x81: {  	_ =	shalt  }
0x82: {  	_ =	shalt  }
0x83: {  	_ =	shalt  }
0x84: {  	_ =	shalt  }
0x85: {  	_ =	shalt  }
0x86: {  	_ =	shalt  }
0x87: {  	_ =	shalt  }
.Lfunc_end0:
.L_simem_size_0:
called_computation.2_lowered:
.L_overlay_start_0:
0x88: {  	s2 =	sld [smem:$0x3FD9]  }
0x89: {  	s3 =	sld [smem:$0x3FFE];
	_ =	sdelay $0x1  }
0x8a: {  	s1 =	srdreg.scid  }
0x8b: {  	s0 =	sand.u32 $0x1, s1  }
0x8c: {  	s17 =	sshll.u32 s0, $0xA;
	s2 =	sadd.s32 s3, s2  }
0x8d: {  	s2 =	sadd.s32 s2, s17  }
0x8e: {  	[smem:$0x3FC2] =	sst s2  }
0x8f: {  	_ = 	snop  }
0x90: {  	s2 =	sld [smem:$0x3FD0];
	(tm) =	ssettm $0x1  }
0x91: {  	s18 =	sld [smem:$0x3FFB];
	_ =	sdelay $0x3  }
0x92: {  	_ =	strace s18  }
0x93: {  	s3 =	sld [smem:$0x3FFC];
	_ =	sdelay $0x3  }
0x94: {  	_ =	strace s3  }
0x95: {  	s3 =	sld [smem:$0x3FFD];
	_ =	sdelay $0x3  }
0x96: {  	_ =	strace s3  }
0x97: {  	_ =	strace $0x8FFFFFFF  }
0x98: {  	s19 =	sld [smem:$0x3FDB];
	_ =	sdelay $0x1  }
0x99: {  	s4 =	simm.s32 $_scs_section_size  }
0x9a: {  	s5 =	simm.s32 $_size__tile_overlayer_lowered;
	s6 =	simm.s32 $_tile_overlayer_lowered  }
0x9b: {  	s22 =	simm.s32 $0x1BFF;
	s21 =	sshll.u32 s6, $0x1;
	s3 =	sadd.s32 s4, s19  }
0x9c: {  	s7 =	simm.s32 $0x0;
	s20 =	sshll.u32 s5, $0x1;
	s5 =	sadd.s32 s21, s3  }
0x9d: {  	[timem:s7], [sflag:s22] =	dma.local [hbm:s5], s20  }
0x9e: {  	_ =	swait.ge [sflag:s22], s20  }
0x9f: {  	s4 =	ssub.s32 $0x0, s20;
	[sflag:s22] =	ssyncset.done $0x0  }
0xa0: {  	[sflag:s22] =	ssyncadd.s32 s4;
	_ =	sdelay $0x1  }
0xa1: {  	s23 =	simm.s32 $0x1B8B  }
0xa2: {  	_ =	swait.ge [sflag:s23], $0x1  }
0xa3: {  	[sflag:s23] =	ssyncset.done $0x0  }
0xa4: {  	s25 =	simm.s32 $0x1B8E;
	s24 =	sld [smem:$0x3FFE];
	[sflag:s23] =	ssyncadd.s32 $0xFFFFFFFF  }
0xa5: {  	s26 =	simm.s32 $execute0_lowered;
	[smem:$0x3FD2] =	sst s25  }
0xa6: {  	s5 =	sshll.u32 s26, $0x1;
	_ =	strace $0x8000004C;
	[dreg:$0x1] =	wrdreg $0xFFFFFFFF  }
0xa7: {  	s28 =	simm.s32 $_size_execute0_lowered;
	s3 =	sadd.s32 s3, s5;
	[dreg:$0x0] =	wrdreg $0x0  }
0xa8: {  	s5 =	sshll.u32 s28, $0x1;
	[dreg:$0x2] =	wrdreg s3  }
0xa9: {  	[dreg:$0x3] =	wrdreg s5  }
0xaa: {  	[dreg:$0x4] =	wrdreg $0xC0  }
0xab: {  	_ =	task [dreg:s7], $0x5FFFF  }
0xac: {  	[dreg:$0x1] =	wrdreg $0xFFFFFFFF  }
0xad: {  	[dreg:$0x0] =	wrdreg $0x60  }
0xae: {  	[dreg:$0x2] =	wrdreg s24  }
0xaf: {  	[dreg:$0x3] =	wrdreg s2  }
0xb0: {  	[dreg:$0x4] =	wrdreg $0x0  }
0xb1: {  	[dreg:$0x5] =	wrdreg $0x9  }
0xb2: {  	_ =	task.clear_ibuf [dreg:s7], $0x6FFFF;
	_ =	strace $0x9000004C  }
0xb3: {  	s29 =	simm.s32 $0x9;
	_ =	strace $0x8000004E  }
0xb4: {  	_ =	swait.ge [sflag:s29], $0x1  }
0xb5: {  	[sflag:s29] =	ssyncadd.s32 $0xFFFFFFFF  }
0xb6: {  	_ =	strace $0x9000004E  }
0xb7: {  	_ =	sfence  }
0xb8: {  	s30 =	sld [smem:$0x0];
	_ =	sdelay $0x2  }
0xb9: {  	s31 =	sshll.u32 s1, $0xD;
	s1 =	sshrl.u32 s1, $0x2  }
0xba: {  	s3 =	sand.u32 $0x4000, s31;
	s1 =	sadd.s32 s1, s30  }
0xbb: {  	s0 =	sor.u32 s3, s0;
	s1 =	sshll.u32 s1, $0x11  }
0xbc: {  	s0 =	sor.u32 s1, s0  }
0xbd: {  	s0 =	sadd.s32 $0x8F2B, s0  }
0xbe: {  	[sflag:s0] =	ssyncadd.remote.s32 $0x1  }
0xbf: {  	_ =	sfence.sel $0xFFFF  }
0xc0: {  	[dreg:$0x0] =	wrdreg $0xFFFFFFFF;
	(pc) =	sbr.abs _section_cstart, $3  }
0xc1: {  	[dreg:$0x1] =	wrdreg $0xFFFFFFFF  }
0xc2: {  	_ =	task.clear_ibuf [dreg:s7], $0x2FFFF;
	_ =	strace $0x9FFFFFFF  }
0xc3: {  	(tm) =	ssettm $0x7FFFFFFF  }
tec
execute0_lowered:
.L_overlay_start_1:
0x0: {  	(tag) =	ssettag $0x1  }
0x1: {  	s0 =	rddreg [dreg:$0x0]  }
0x2: {  	s1 =	rddreg [dreg:$0x1]  }
0x3: {  	s2 =	rddreg [dreg:$0x2];
	s13 =	stileid.u32;
	s3 =	simm.s32 $0x0  }
0x4: {  	s4 =	srdreg.scid;
	s15 =	simm.s32 $0x80;
	s16 =	simm.s32 $0x13E00  }
0x5: {  	s18 =	simm.s32 $0x15E00;
	s20 =	simm.s32 $0x17E00;
	s21 =	simm.s32 $0x19E00  }
0x6: {  	s22 =	simm.s32 $0x1;
	s23 =	simm.s32 $0x2;
	s28 =	simm.s32 $0x13C00  }
0x7: {  	s29 =	simm.s32 $0x13C80;
	s30 =	simm.s32 $0x13D00;
	s5 =	smul.u32 $0xA00, s13  }
0x8: {  	s31 =	simm.s32 $0x13D80;
	[smem:$0x7FF] =	sst s3;
	s6 =	smul.u32 $0x9E00, s13  }
0x9: {  	s7 =	sand.u32 $0x1, s4;
	s4 =	sadd.s32 $0x15800, s0;
	s26 =	sshll.u32 s13, $0x6  }
0xa: {  	_ =	strace $0x8000004D;
	s8 =	smul.u32 $0x9E000, s7;
	s10 =	sshll.u32 s7, $0x4  }
0xb: {  	s7 =	ssub.s32 $0x2, s7;
	s9 =	sadd.s32 s5, s0;
	s24 =	sshrl.u32 s6, $0x3  }
0xc: {  	s10 =	sor.u32 s13, s10;
	s25 =	sshrl.u32 s7, $0x1;
	s12 =	sadd.s32 s6, s2  }
0xd: {  	s13 =	simm.s32 $0x9E00;
	s5 =	sadd.s32 s24, s0;
	s8 =	sadd.s32 s6, s8  }
0xe: {  	s10 =	smul.u32 $0xA00, s10;
	s11 =	ssub.s32 s7, s25;
	s6 =	sor.u32 $0x1C05, s26  }
0xf: {  	s24 =	simm.s32 $0x3;
	s25 =	simm.s32 $0x4;
	s8 =	sshrl.u32 s8, $0x3  }
0x10: {  	s5 =	sadd.s32 $0xDB800, s5;
	s0 =	sadd.s32 s8, s0;
	s7 =	sadd.s32 s1, s10  }
0x11: {  	s8 =	sadd.s32 $0xB800, s9;
	s10 =	smax.u32 s11, $0x1;
	s11 =	sshrl.u32 s12, $0x3  }
0x12: {  	s12 =	simm.s32 $0x5;
	s9 =	sadd.s32 $0x8C800, s0;
	s0 =	simm.s32 $0x0  }
.LBB2_1:
0x13: {  	[spmem:s11], [sflag:s6] =	dma.local [hbm:s5], $0x13C0  }
0x14: {  	_ =	swait.ge [sflag:s12], $0x13C0  }
0x15: {  	[sflag:s12] =	ssyncset.done $0x0  }
0x16: {  	[sflag:s12] =	ssyncadd.s32 $0xFFFFEC40  }
0x17: {  	[tilespmem:s13], [sflag:$0x5] =	stream.linear.gather [hbm4b:s7+s3], $0x5000, $0x38;
	[tilespmem:$0x1BE00] =	vst v63  }
0x18: {  	_ =	swait.ge [sflag:s12], $0x5000  }
0x19: {  	[sflag:s12] =	ssyncset.done $0x0  }
0x1a: {  	s1 =	simm.s32 $0xEE00;
	[sflag:s12] =	ssyncadd.s32 $0xFFFFB000  }
0x1b: {  	[tilespmem:s1], [sflag:$0x5] =	stream.linear.gather [hbm4b:s8+s3], $0x5000, $0x38;
	[tilespmem:$0x1BE00] =	vst v63  }
0x1c: {  	_ =	swait.ge [sflag:s12], $0x5000  }
0x1d: {  	[sflag:s12] =	ssyncset.done $0x0  }
0x1e: {  	[sflag:s12] =	ssyncadd.s32 $0xFFFFB000  }
0x1f: {  	[bflag:$0x0] =	sbarrier.arrive $0xFFFF  }
0x20: {  	[tilespmem:s16], [sflag:$0x1] =	stream.indirect.gather [hbm4b:s4+s15], $0x40, s13, s15, $0xb8;
	[tilespmem:$0x1BE00] =	vst v63  }
0x21: {  	s19 =	simm.s32 $0x9E80  }
0x22: {  	[tilespmem:s18], [sflag:$0x2] =	stream.indirect.gather [hbm4b:s4+s15], $0x40, s19, s15, $0xb8;
	[tilespmem:$0x1BE00] =	vst v63  }
0x23: {  	s26 =	simm.s32 $0x9F00  }
0x24: {  	[tilespmem:s20], [sflag:$0x3] =	stream.indirect.gather [hbm4b:s4+s15], $0x40, s26, s15, $0xb8;
	[tilespmem:$0x1BE00] =	vst v63  }
0x25: {  	s14 =	simm.s32 $0x9F80  }
0x26: {  	[tilespmem:s21], [sflag:$0x4] =	stream.indirect.gather [hbm4b:s4+s15], $0x40, s14, s15, $0xb8;
	[tilespmem:$0x1BE00] =	vst v63  }
0x27: {  	_ =	swait.ge [sflag:s22], $0x2000  }
0x28: {  	[sflag:s22] =	ssyncset.done $0x0  }
0x29: {  	s17 =	simm.s32 $0xEE00;
	[sflag:s22] =	ssyncadd.s32 $0xFFFFE000  }
0x2a: {  	[spmem:s2] =	stream.indirect.scatter.add.f32 [tilespmem:s16], [sflag:$0x5], $0x40, s17, s15, $0xb8;
	[tilespmem:$0x1BE00] =	vst v63  }
0x2b: {  	_ =	swait.ge [sflag:s12], $0x2000  }
0x2c: {  	[sflag:s12] =	ssyncset.done $0x0  }
0x2d: {  	s19 =	simm.s32 $0xA000;
	[sflag:s12] =	ssyncadd.s32 $0xFFFFE000  }
0x2e: {  	[tilespmem:s16], [sflag:$0x1] =	stream.indirect.gather [hbm4b:s4+s15], $0x40, s19, s15, $0xb8;
	[tilespmem:$0x1BE00] =	vst v63  }
0x2f: {  	_ =	swait.ge [sflag:s23], $0x2000  }
0x30: {  	[sflag:s23] =	ssyncset.done $0x0  }
0x31: {  	s26 =	simm.s32 $0xEE80;
	[sflag:s23] =	ssyncadd.s32 $0xFFFFE000  }
0x32: {  	[spmem:s2] =	stream.indirect.scatter.add.f32 [tilespmem:s18], [sflag:$0x5], $0x40, s26, s15, $0xb8;
	[tilespmem:$0x1BE00] =	vst v63  }
0x33: {  	_ =	swait.ge [sflag:s12], $0x2000  }
0x34: {  	[sflag:s12] =	ssyncset.done $0x0  }
0x35: {  	s14 =	simm.s32 $0xA080;
	[sflag:s12] =	ssyncadd.s32 $0xFFFFE000  }
0x36: {  	[tilespmem:s18], [sflag:$0x2] =	stream.indirect.gather [hbm4b:s4+s15], $0x40, s14, s15, $0xb8;
	[tilespmem:$0x1BE00] =	vst v63  }
0x37: {  	_ =	swait.ge [sflag:s24], $0x2000  }
0x38: {  	[sflag:s24] =	ssyncset.done $0x0  }
0x39: {  	s17 =	simm.s32 $0xEF00;
	[sflag:s24] =	ssyncadd.s32 $0xFFFFE000  }
0x3a: {  	[spmem:s2] =	stream.indirect.scatter.add.f32 [tilespmem:s20], [sflag:$0x5], $0x40, s17, s15, $0xb8;
	[tilespmem:$0x1BE00] =	vst v63  }
0x3b: {  	_ =	swait.ge [sflag:s12], $0x2000  }
0x3c: {  	[sflag:s12] =	ssyncset.done $0x0  }
0x3d: {  	s19 =	simm.s32 $0xA100;
	[sflag:s12] =	ssyncadd.s32 $0xFFFFE000  }
0x3e: {  	[tilespmem:s20], [sflag:$0x3] =	stream.indirect.gather [hbm4b:s4+s15], $0x40, s19, s15, $0xb8;
	[tilespmem:$0x1BE00] =	vst v63  }
0x3f: {  	_ =	swait.ge [sflag:s25], $0x2000  }
0x40: {  	[sflag:s25] =	ssyncset.done $0x0  }
0x41: {  	s26 =	simm.s32 $0xEF80;
	[sflag:s25] =	ssyncadd.s32 $0xFFFFE000  }
0x42: {  	[spmem:s2] =	stream.indirect.scatter.add.f32 [tilespmem:s21], [sflag:$0x5], $0x40, s26, s15, $0xb8;
	[tilespmem:$0x1BE00] =	vst v63  }
0x43: {  	_ =	swait.ge [sflag:s12], $0x2000  }
0x44: {  	s1 =	simm.s32 $0x200;
	s14 =	simm.s32 $0x1000;
	[sflag:s12] =	ssyncset.done $0x0  }
.LBB2_2:
0x45: {  	s26 =	sadd.s32 $0x9F80, s1  }
0x46: {  	[sflag:s12] =	ssyncadd.s32 $0xFFFFE000;
	s17 =	smov.u32 s14;
	s19 =	sadd.s32 $0x800, s14  }
0x47: {  	[tilespmem:s21], [sflag:$0x4] =	stream.indirect.gather [hbm4b:s4+s15], $0x40, s26, s15, $0xb8;
	[tilespmem:$0x1BE00] =	vst v63  }
0x48: {  	p0 =	sne.s32 s14, $0x13000;
	_ =	swait.ge [sflag:s22], $0x2000  }
0x49: {  	[sflag:s22] =	ssyncset.done $0x0  }
0x4a: {  	s14 =	sadd.s32 $0xEE00, s1;
	[sflag:s22] =	ssyncadd.s32 $0xFFFFE000  }
0x4b: {  	[spmem:s2] =	stream.indirect.scatter.add.f32 [tilespmem:s16], [sflag:$0x5], $0x40, s14, s15, $0xb8;
	[tilespmem:$0x1BE00] =	vst v63  }
0x4c: {  	_ =	swait.ge [sflag:s12], $0x2000  }
0x4d: {  	[sflag:s12] =	ssyncset.done $0x0  }
0x4e: {  	s14 =	sadd.s32 $0xA000, s1;
	[sflag:s12] =	ssyncadd.s32 $0xFFFFE000  }
0x4f: {  	[tilespmem:s16], [sflag:$0x1] =	stream.indirect.gather [hbm4b:s4+s15], $0x40, s14, s15, $0xb8;
	[tilespmem:$0x1BE00] =	vst v63  }
0x50: {  	_ =	swait.ge [sflag:s23], $0x2000  }
0x51: {  	[sflag:s23] =	ssyncset.done $0x0  }
0x52: {  	s14 =	sadd.s32 $0xEE80, s1;
	[sflag:s23] =	ssyncadd.s32 $0xFFFFE000  }
0x53: {  	[spmem:s2] =	stream.indirect.scatter.add.f32 [tilespmem:s18], [sflag:$0x5], $0x40, s14, s15, $0xb8;
	[tilespmem:$0x1BE00] =	vst v63  }
0x54: {  	_ =	swait.ge [sflag:s12], $0x2000  }
0x55: {  	[sflag:s12] =	ssyncset.done $0x0  }
0x56: {  	s14 =	sadd.s32 $0xA080, s1;
	[sflag:s12] =	ssyncadd.s32 $0xFFFFE000  }
0x57: {  	[tilespmem:s18], [sflag:$0x2] =	stream.indirect.gather [hbm4b:s4+s15], $0x40, s14, s15, $0xb8;
	[tilespmem:$0x1BE00] =	vst v63  }
0x58: {  	_ =	swait.ge [sflag:s24], $0x2000  }
0x59: {  	[sflag:s24] =	ssyncset.done $0x0  }
0x5a: {  	s14 =	sadd.s32 $0xEF00, s1;
	[sflag:s24] =	ssyncadd.s32 $0xFFFFE000  }
0x5b: {  	[spmem:s2] =	stream.indirect.scatter.add.f32 [tilespmem:s20], [sflag:$0x5], $0x40, s14, s15, $0xb8;
	[tilespmem:$0x1BE00] =	vst v63  }
0x5c: {  	_ =	swait.ge [sflag:s12], $0x2000  }
0x5d: {  	[sflag:s12] =	ssyncset.done $0x0  }
0x5e: {  	s14 =	sadd.s32 $0xA100, s1;
	[sflag:s12] =	ssyncadd.s32 $0xFFFFE000  }
0x5f: {  	[tilespmem:s20], [sflag:$0x3] =	stream.indirect.gather [hbm4b:s4+s15], $0x40, s14, s15, $0xb8;
	[tilespmem:$0x1BE00] =	vst v63  }
0x60: {  	_ =	swait.ge [sflag:s25], $0x2000  }
.Ltmp0:
0x61: {  	[sflag:s25] =	ssyncset.done $0x0;
	(pc) =	sbr.rel @p0 .LBB2_2-.Ltmp0, $4  }
0x62: {  	s1 =	sadd.s32 $0xEF80, s1;
	[sflag:s25] =	ssyncadd.s32 $0xFFFFE000  }
0x63: {  	[spmem:s2] =	stream.indirect.scatter.add.f32 [tilespmem:s21], [sflag:$0x5], $0x40, s1, s15, $0xb8;
	[tilespmem:$0x1BE00] =	vst v63  }
0x64: {  	_ =	swait.ge [sflag:s12], $0x2000  }
0x65: {  	s14 =	smov.u32 s19;
	s1 =	sshra.s32 s17, $0x2;
	[sflag:s12] =	ssyncset.done $0x0  }
0x66: {  	s14 =	sadd.s32 $0x9F80, s1;
	[sflag:s12] =	ssyncadd.s32 $0xFFFFE000  }
0x67: {  	[tilespmem:s21], [sflag:$0x4] =	stream.indirect.gather [hbm4b:s4+s15], $0x40, s14, s15, $0xb8;
	[tilespmem:$0x1BE00] =	vst v63  }
0x68: {  	_ =	swait.ge [sflag:s22], $0x2000  }
0x69: {  	[sflag:s22] =	ssyncset.done $0x0  }
0x6a: {  	s19 =	sadd.s32 $0xEE00, s1;
	[sflag:s22] =	ssyncadd.s32 $0xFFFFE000  }
0x6b: {  	[spmem:s2] =	stream.indirect.scatter.add.f32 [tilespmem:s16], [sflag:$0x5], $0x40, s19, s15, $0xb8;
	[tilespmem:$0x1BE00] =	vst v63  }
0x6c: {  	_ =	swait.ge [sflag:s12], $0x2000  }
0x6d: {  	[sflag:s12] =	ssyncset.done $0x0  }
0x6e: {  	s26 =	sadd.s32 $0xA000, s1;
	[sflag:s12] =	ssyncadd.s32 $0xFFFFE000  }
0x6f: {  	[tilespmem:s16], [sflag:$0x1] =	stream.indirect.gather [hbm4b:s4+s15], $0x40, s26, s15, $0xb8;
	[tilespmem:$0x1BE00] =	vst v63  }
0x70: {  	_ =	swait.ge [sflag:s23], $0x2000  }
0x71: {  	[sflag:s23] =	ssyncset.done $0x0  }
0x72: {  	s17 =	sadd.s32 $0xEE80, s1;
	[sflag:s23] =	ssyncadd.s32 $0xFFFFE000  }
0x73: {  	[spmem:s2] =	stream.indirect.scatter.add.f32 [tilespmem:s18], [sflag:$0x5], $0x40, s17, s15, $0xb8;
	[tilespmem:$0x1BE00] =	vst v63  }
0x74: {  	_ =	swait.ge [sflag:s12], $0x2000  }
0x75: {  	[sflag:s12] =	ssyncset.done $0x0  }
0x76: {  	s19 =	sadd.s32 $0xA080, s1;
	[sflag:s12] =	ssyncadd.s32 $0xFFFFE000  }
0x77: {  	[tilespmem:s18], [sflag:$0x2] =	stream.indirect.gather [hbm4b:s4+s15], $0x40, s19, s15, $0xb8;
	[tilespmem:$0x1BE00] =	vst v63  }
0x78: {  	_ =	swait.ge [sflag:s24], $0x2000  }
0x79: {  	[sflag:s24] =	ssyncset.done $0x0  }
0x7a: {  	s26 =	sadd.s32 $0xEF00, s1;
	[sflag:s24] =	ssyncadd.s32 $0xFFFFE000  }
0x7b: {  	[spmem:s2] =	stream.indirect.scatter.add.f32 [tilespmem:s20], [sflag:$0x5], $0x40, s26, s15, $0xb8;
	[tilespmem:$0x1BE00] =	vst v63  }
0x7c: {  	_ =	swait.ge [sflag:s12], $0x2000  }
0x7d: {  	[sflag:s12] =	ssyncset.done $0x0  }
0x7e: {  	s17 =	sadd.s32 $0xA100, s1;
	[sflag:s12] =	ssyncadd.s32 $0xFFFFE000  }
0x7f: {  	[tilespmem:s20], [sflag:$0x3] =	stream.indirect.gather [hbm4b:s4+s15], $0x40, s17, s15, $0xb8;
	[tilespmem:$0x1BE00] =	vst v63  }
0x80: {  	_ =	swait.ge [sflag:s25], $0x2000  }
0x81: {  	[sflag:s25] =	ssyncset.done $0x0  }
0x82: {  	s19 =	sadd.s32 $0xEF80, s1;
	[sflag:s25] =	ssyncadd.s32 $0xFFFFE000  }
0x83: {  	[spmem:s2] =	stream.indirect.scatter.add.f32 [tilespmem:s21], [sflag:$0x5], $0x40, s19, s15, $0xb8;
	[tilespmem:$0x1BE00] =	vst v63  }
0x84: {  	_ =	swait.ge [sflag:s12], $0x2000  }
0x85: {  	[sflag:s12] =	ssyncset.done $0x0  }
0x86: {  	s26 =	simm.s32 $0xED80;
	[sflag:s12] =	ssyncadd.s32 $0xFFFFE000  }
0x87: {  	[tilespmem:s21], [sflag:$0x4] =	stream.indirect.gather [hbm4b:s4+s15], $0x40, s26, s15, $0xb8;
	[tilespmem:$0x1BE00] =	vst v63  }
0x88: {  	_ =	swait.ge [sflag:s22], $0x2000  }
0x89: {  	[sflag:s22] =	ssyncset.done $0x0  }
0x8a: {  	[sflag:s22] =	ssyncadd.s32 $0xFFFFE000  }
0x8b: {  	[spmem:s2] =	stream.indirect.scatter.add.f32 [tilespmem:s16], [sflag:$0x5], $0x40, s28, s15, $0xb8;
	[tilespmem:$0x1BE00] =	vst v63  }
0x8c: {  	_ =	swait.ge [sflag:s12], $0x2000  }
0x8d: {  	[sflag:s12] =	ssyncset.done $0x0  }
0x8e: {  	[sflag:s12] =	ssyncadd.s32 $0xFFFFE000  }
0x8f: {  	_ =	swait.ge [sflag:s23], $0x2000  }
0x90: {  	[sflag:s23] =	ssyncset.done $0x0  }
0x91: {  	[sflag:s23] =	ssyncadd.s32 $0xFFFFE000  }
0x92: {  	[spmem:s2] =	stream.indirect.scatter.add.f32 [tilespmem:s18], [sflag:$0x5], $0x40, s29, s15, $0xb8;
	[tilespmem:$0x1BE00] =	vst v63  }
0x93: {  	_ =	swait.ge [sflag:s12], $0x2000  }
0x94: {  	[sflag:s12] =	ssyncset.done $0x0  }
0x95: {  	[sflag:s12] =	ssyncadd.s32 $0xFFFFE000  }
0x96: {  	_ =	swait.ge [sflag:s24], $0x2000  }
0x97: {  	[sflag:s24] =	ssyncset.done $0x0  }
0x98: {  	[sflag:s24] =	ssyncadd.s32 $0xFFFFE000  }
0x99: {  	[spmem:s2] =	stream.indirect.scatter.add.f32 [tilespmem:s20], [sflag:$0x5], $0x40, s30, s15, $0xb8;
	[tilespmem:$0x1BE00] =	vst v63  }
0x9a: {  	_ =	swait.ge [sflag:s12], $0x2000  }
0x9b: {  	[sflag:s12] =	ssyncset.done $0x0  }
0x9c: {  	[sflag:s12] =	ssyncadd.s32 $0xFFFFE000  }
0x9d: {  	_ =	swait.ge [sflag:s25], $0x2000  }
0x9e: {  	[sflag:s25] =	ssyncset.done $0x0  }
0x9f: {  	[sflag:s25] =	ssyncadd.s32 $0xFFFFE000  }
0xa0: {  	[spmem:s2] =	stream.indirect.scatter.add.f32 [tilespmem:s21], [sflag:$0x5], $0x40, s31, s15, $0xb8;
	[tilespmem:$0x1BE00] =	vst v63  }
0xa1: {  	_ =	swait.ge [sflag:s12], $0x2000  }
0xa2: {  	s0 =	sadd.s32 $0x1, s0;
	[sflag:s12] =	ssyncset.done $0x0  }
0xa3: {  	p0 =	sne.s32 s0, s10;
	[sflag:s12] =	ssyncadd.s32 $0xFFFFE000  }
.Ltmp1:
0xa4: {  	[bflag:$0x0] =	sbarrier.arrive $0xFFFF;
	(pc) =	sbr.rel @p0 .LBB2_1-.Ltmp1, $4  }
0xa5: {  	[hbm:s9], [sflag:s6] =	dma.local [spmem:s11], $0x13C0  }
0xa6: {  	_ =	swait.ge [sflag:s12], $0x13C0  }
0xa7: {  	[sflag:s12] =	ssyncset.done $0x0  }
0xa8: {  	[sflag:s12] =	ssyncadd.s32 $0xFFFFEC40  }
0xa9: {  	_ =	sfence.sel $0x180000  }
0xaa: {  	[bflag:$0x0] =	sbarrier.arrive $0xFFFF  }
0xab: {  	_ =	strace $0x9000004D  }
0xac: {  	s0 =	stileid.u32;
	[bflag:$0x2] =	sbarrier.arrive $0xFFFF  }
0xad: {  	p0 =	sne.s32 s0, $0x0;
	s0 =	rddreg [dreg:$0x3]  }
0xae: {  	s0 =	sadd.s32 @!p0 $0x100000, s0  }
0xaf: {  	[sflag:s0] =	ssyncadd.tile.s32 @!p0 $0x1;
	_ =	shalt  }
.Lfunc_end2:
_tile_overlayer_lowered:
.L_overlay_start_2:
0xb0: {  	(tag) =	ssettag $0x2  }
0xb1: {  	s0 =	rddreg [dreg:$0x0];
	s2 =	stileid.u32  }
0xb2: {  	s1 =	rddreg [dreg:$0x1];
	p0 =	sne.s32 s2, $0x0  }
0xb3: {  	s3 =	rddreg [dreg:$0x2];
	[bflag:$0x3] =	sbarrier.arrive $0xFFFF;
	s2 =	simm.s32 @!p0 $0x1C05  }
0xb4: {  	[timem:s3], [sflag:s2] =	dma.local @!p0 [hbm:s0], s1  }
0xb5: {  	s0 =	simm.s32 @!p0 $0x5  }
0xb6: {  	_ =	swait.ge @!p0 [sflag:s0], s1  }
0xb7: {  	s1 =	ssub.s32 @!p0 $0x0, s1;
	[sflag:s0] =	ssyncset.done @!p0 $0x0  }
0xb8: {  	[sflag:s0] =	ssyncadd.s32 @!p0 s1  }
0xb9: {  	[bflag:$0x3] =	sbarrier.arrive $0xFFFF  }
0xba: {  	_ =	shalt  }

// kernel: kernel.8.cloned.1.call-start
scs
__scs_entry_jumppad:
0x0: {  	(pc) =	sbr.rel $0x88, $3  }
0x1: {  	(tag) =	ssettag $0x0;
	lr =	simm.s32 $0x1  }
0x2: {  	[smem:$0x3F9B] =	sst lr;
	_ =	strace $0xD0000000  }
0x3: {  	_ = 	snop  }
0x4: {  	_ = 	snop  }
0x5: {  	_ = 	snop  }
0x6: {  	_ = 	snop  }
0x7: {  	_ = 	snop  }
__scs_overlays_trampoline_lowered:
0x8: {  	[smem:$0x3FAA] =	sst s0  }
0x9: {  	[smem:$0x3FAB] =	sst s1  }
0xa: {  	[smem:$0x3FAC] =	sst s2  }
0xb: {  	[smem:$0x3FAD] =	sst s3  }
0xc: {  	[smem:$0x3FAE] =	sst s4  }
0xd: {  	[smem:$0x3FAF] =	sst s5  }
0xe: {  	[smem:$0x3FB0] =	sst s6  }
0xf: {  	[smem:$0x3FB1] =	sst s7  }
0x10: {  	[smem:$0x3FB2] =	sst s8  }
0x11: {  	[smem:$0x3FB3] =	sst s9;
	s0 =	simm.s32 @!p0 $0x0  }
0x12: {  	s1 =	sld [smem:$0x3F99];
	s0 =	simm.s32 @p0 $0x1  }
0x13: {  	[smem:$0x3FB4] =	sst s0;
	s0 =	simm.s32 @!p1 $0x0  }
0x14: {  	s2 =	sld [smem:$0x3F98];
	s0 =	simm.s32 @p1 $0x1  }
0x15: {  	[smem:$0x3FB5] =	sst s0;
	s0 =	simm.s32 @!p2 $0x0  }
0x16: {  	s3 =	sld [smem:$0x3FDB];
	s0 =	simm.s32 @p2 $0x1  }
0x17: {  	s4 =	simm.s32 $0x1BF5;
	[smem:$0x3FB7] =	sst s0  }
0x18: {  	s0 =	sld [smem:$0x3F9A];
	_ =	swait.ge [sflag:s4], $0x0  }
0x19: {  	s7 =	sld [smem:$0x3F9B]  }
0x1a: {  	s8 =	sadd.s32 $0xFFFFE003, lr  }
0x1b: {  	s9 =	sadd.s32 $0xFFFFFEF7, lr;
	s5 =	simm.s32 $0xFFFFFFFF;
	p2 =	slt.u32 s8, $0xFFFFF086  }
0x1c: {  	p1 =	slt.u32 s9, $0xF7A;
	s5 =	simm.s32 @!p2 $0x0  }
0x1d: {  	s5 =	simm.s32 @p1 $0x1;
	p0 =	seq.s32 s7, s2  }
0x1e: {  	s7 =	smul.u32 @!p0 $0xF7A, s2;
	p2 =	seq.s32 @!p0 s5, $0x0  }
0x1f: {  	s9 =	smul.u32 $0xF7A, s1;
	s8 =	simm.s32 @!p0 $0x1BF5;
	p2 =	por !p2, p0  }
0x20: {  	[sflag:s8] =	ssyncset.s32 @!p0 $0xFFFFF086;
	s6 =	sadd.s32 @!p0 s3, s7;
	s7 =	simm.s32 @!p0 $0x108  }
0x21: {  	s3 =	sadd.s32 s3, s9;
	s6 =	sadd.s32 @!p0 $0x88, s6;
	s7 =	simm.s32 @p2 $0x1082  }
0x22: {  	[simem:s7], [sflag:s8] =	dma.local @!p0 [hbm:s6], $0xF7A  }
0x23: {  	s9 =	sor.u32 $0xD0000000, s2;
	s6 =	simm.s32 $0x108;
	_ =	swait.ge @!p0 [sflag:s8], $0x0  }
0x24: {  	s3 =	sadd.s32 $0x88, s3;
	s6 =	simm.s32 @!p1 $0x1082;
	[sflag:s4] =	ssyncset.s32 $0xFFFFF086  }
0x25: {  	[simem:s6], [sflag:s4] =	dma.local [hbm:s3], $0xF7A  }
0x26: {  	[smem:$0x3F9B] =	sst s1;
	(tag) =	ssettag s2;
	_ =	strace s9  }
0x27: {  	s1 =	sld [smem:$0x3FAB]  }
0x28: {  	s2 =	sld [smem:$0x3FAC]  }
0x29: {  	s4 =	sld [smem:$0x3FAE]  }
0x2a: {  	p0 =	seq.s32 s5, $0x0;
	s5 =	sld [smem:$0x3FAF]  }
0x2b: {  	s6 =	sld [smem:$0x3FB0]  }
0x2c: {  	s7 =	sld [smem:$0x3FB1]  }
0x2d: {  	s3 =	simm.s32 $0x108;
	s8 =	sld [smem:$0x3FB2]  }
0x2e: {  	s3 =	simm.s32 @!p0 $0x1082;
	s9 =	sld [smem:$0x3FB3]  }
0x2f: {  	lr =	sadd.s32 s0, s3;
	s0 =	sld [smem:$0x3FAA]  }
0x30: {  	s3 =	sld [smem:$0x3FAD]  }
0x31: {  	[smem:$0x3FB6] =	sst s10  }
0x32: {  	s10 =	sld [smem:$0x3FB4];
	_ =	sdelay $0x3  }
0x33: {  	p0 =	seq.s32 s10, $0x1;
	s10 =	sld [smem:$0x3FB6];
	_ =	sdelay $0x3  }
0x34: {  	[smem:$0x3FB6] =	sst s10  }
0x35: {  	s10 =	sld [smem:$0x3FB5];
	_ =	sdelay $0x3  }
0x36: {  	p1 =	seq.s32 s10, $0x1;
	s10 =	sld [smem:$0x3FB6];
	_ =	sdelay $0x3  }
0x37: {  	[smem:$0x3FB6] =	sst s10  }
0x38: {  	s10 =	sld [smem:$0x3FB7]  }
0x39: {  	_ = 	snop;
	(pc) =	sbr.ind lr, $3  }
0x3a: {  	_ = 	snop  }
0x3b: {  	_ = 	snop  }
0x3c: {  	p2 =	seq.s32 s10, $0x1;
	s10 =	sld [smem:$0x3FB6]  }
0x3d: {  	_ =	shalt  }
0x3e: {  	_ =	shalt  }
0x3f: {  	_ =	shalt  }
0x40: {  	_ =	shalt  }
0x41: {  	_ =	shalt  }
0x42: {  	_ =	shalt  }
0x43: {  	_ =	shalt  }
0x44: {  	_ =	shalt  }
0x45: {  	_ =	shalt  }
0x46: {  	_ =	shalt  }
0x47: {  	_ =	shalt  }
0x48: {  	_ =	shalt  }
0x49: {  	_ =	shalt  }
0x4a: {  	_ =	shalt  }
0x4b: {  	_ =	shalt  }
0x4c: {  	_ =	shalt  }
0x4d: {  	_ =	shalt  }
0x4e: {  	_ =	shalt  }
0x4f: {  	_ =	shalt  }
0x50: {  	_ =	shalt  }
0x51: {  	_ =	shalt  }
0x52: {  	_ =	shalt  }
0x53: {  	_ =	shalt  }
0x54: {  	_ =	shalt  }
0x55: {  	_ =	shalt  }
0x56: {  	_ =	shalt  }
0x57: {  	_ =	shalt  }
0x58: {  	_ =	shalt  }
0x59: {  	_ =	shalt  }
0x5a: {  	_ =	shalt  }
0x5b: {  	_ =	shalt  }
0x5c: {  	_ =	shalt  }
0x5d: {  	_ =	shalt  }
0x5e: {  	_ =	shalt  }
0x5f: {  	_ =	shalt  }
0x60: {  	_ =	shalt  }
0x61: {  	_ =	shalt  }
0x62: {  	_ =	shalt  }
0x63: {  	_ =	shalt  }
0x64: {  	_ =	shalt  }
0x65: {  	_ =	shalt  }
0x66: {  	_ =	shalt  }
0x67: {  	_ =	shalt  }
0x68: {  	_ =	shalt  }
0x69: {  	_ =	shalt  }
0x6a: {  	_ =	shalt  }
0x6b: {  	_ =	shalt  }
0x6c: {  	_ =	shalt  }
0x6d: {  	_ =	shalt  }
0x6e: {  	_ =	shalt  }
0x6f: {  	_ =	shalt  }
0x70: {  	_ =	shalt  }
0x71: {  	_ =	shalt  }
0x72: {  	_ =	shalt  }
0x73: {  	_ =	shalt  }
0x74: {  	_ =	shalt  }
0x75: {  	_ =	shalt  }
0x76: {  	_ =	shalt  }
0x77: {  	_ =	shalt  }
0x78: {  	_ =	shalt  }
0x79: {  	_ =	shalt  }
0x7a: {  	_ =	shalt  }
0x7b: {  	_ =	shalt  }
0x7c: {  	_ =	shalt  }
0x7d: {  	_ =	shalt  }
0x7e: {  	_ =	shalt  }
0x7f: {  	_ =	shalt  }
0x80: {  	_ =	shalt  }
0x81: {  	_ =	shalt  }
0x82: {  	_ =	shalt  }
0x83: {  	_ =	shalt  }
0x84: {  	_ =	shalt  }
0x85: {  	_ =	shalt  }
0x86: {  	_ =	shalt  }
0x87: {  	_ =	shalt  }
.Lfunc_end0:
.L_simem_size_0:
called_computation_lowered:
.L_overlay_start_0:
0x88: {  	s2 =	sld [smem:$0x3FD9]  }
0x89: {  	s3 =	sld [smem:$0x3FFE];
	_ =	sdelay $0x1  }
0x8a: {  	s1 =	srdreg.scid  }
0x8b: {  	s0 =	sand.u32 $0x1, s1  }
0x8c: {  	s16 =	sshll.u32 s0, $0xA;
	s2 =	sadd.s32 s3, s2  }
0x8d: {  	s2 =	sadd.s32 s2, s16  }
0x8e: {  	[smem:$0x3FC2] =	sst s2  }
0x8f: {  	_ = 	snop  }
0x90: {  	(tm) =	ssettm $0x1  }
0x91: {  	s17 =	sld [smem:$0x3FFB];
	_ =	sdelay $0x3  }
0x92: {  	_ =	strace s17  }
0x93: {  	s2 =	sld [smem:$0x3FFC];
	_ =	sdelay $0x3  }
0x94: {  	_ =	strace s2  }
0x95: {  	s2 =	sld [smem:$0x3FFD];
	_ =	sdelay $0x3  }
0x96: {  	_ =	strace s2  }
0x97: {  	_ =	strace $0x8FFFFFFF  }
0x98: {  	s18 =	sld [smem:$0x3FDB];
	_ =	sdelay $0x1  }
0x99: {  	s19 =	simm.s32 $_scs_section_size  }
0x9a: {  	s4 =	simm.s32 $_size__tile_overlayer_lowered;
	s5 =	simm.s32 $_tile_overlayer_lowered  }
0x9b: {  	s22 =	simm.s32 $0x1BFF;
	s21 =	sshll.u32 s5, $0x1;
	s2 =	sadd.s32 s19, s18  }
0x9c: {  	s6 =	simm.s32 $0x0;
	s20 =	sshll.u32 s4, $0x1;
	s4 =	sadd.s32 s21, s2  }
0x9d: {  	[timem:s6], [sflag:s22] =	dma.local [hbm:s4], s20  }
0x9e: {  	_ =	swait.ge [sflag:s22], s20  }
0x9f: {  	s3 =	ssub.s32 $0x0, s20;
	[sflag:s22] =	ssyncset.done $0x0  }
0xa0: {  	[sflag:s22] =	ssyncadd.s32 s3;
	_ =	sdelay $0x1  }
0xa1: {  	s23 =	simm.s32 $0x1B8B  }
0xa2: {  	_ =	swait.ge [sflag:s23], $0x1  }
0xa3: {  	[sflag:s23] =	ssyncset.done $0x0  }
0xa4: {  	s25 =	simm.s32 $0x1B8E;
	s24 =	sld [smem:$0x3FFE];
	[sflag:s23] =	ssyncadd.s32 $0xFFFFFFFF  }
0xa5: {  	s26 =	simm.s32 $execute0_lowered;
	[smem:$0x3FD2] =	sst s25  }
0xa6: {  	s4 =	sshll.u32 s26, $0x1;
	_ =	strace $0x80000046;
	[dreg:$0x1] =	wrdreg $0xFFFFFFFF  }
0xa7: {  	s28 =	simm.s32 $_size_execute0_lowered;
	s2 =	sadd.s32 s2, s4;
	[dreg:$0x0] =	wrdreg $0x0  }
0xa8: {  	s4 =	sshll.u32 s28, $0x1;
	[dreg:$0x2] =	wrdreg s2  }
0xa9: {  	[dreg:$0x3] =	wrdreg s4  }
0xaa: {  	[dreg:$0x4] =	wrdreg $0xC0  }
0xab: {  	_ =	task [dreg:s6], $0x5FFFF  }
0xac: {  	[dreg:$0x1] =	wrdreg $0xFFFFFFFF  }
0xad: {  	[dreg:$0x0] =	wrdreg $0x60  }
0xae: {  	[dreg:$0x2] =	wrdreg s24  }
0xaf: {  	[dreg:$0x3] =	wrdreg $0x0  }
0xb0: {  	[dreg:$0x4] =	wrdreg $0x9  }
0xb1: {  	_ =	task.clear_ibuf [dreg:s6], $0x5FFFF;
	_ =	strace $0x90000046  }
0xb2: {  	s29 =	simm.s32 $0x9;
	_ =	strace $0x80000048  }
0xb3: {  	_ =	swait.ge [sflag:s29], $0x1  }
0xb4: {  	[sflag:s29] =	ssyncadd.s32 $0xFFFFFFFF  }
0xb5: {  	_ =	strace $0x90000048  }
0xb6: {  	_ =	sfence  }
0xb7: {  	s30 =	sld [smem:$0x0];
	_ =	sdelay $0x2  }
0xb8: {  	s31 =	sshll.u32 s1, $0xD;
	s1 =	sshrl.u32 s1, $0x2  }
0xb9: {  	s3 =	sand.u32 $0x4000, s31;
	s1 =	sadd.s32 s1, s30  }
0xba: {  	s0 =	sor.u32 s3, s0;
	s1 =	sshll.u32 s1, $0x11  }
0xbb: {  	s0 =	sor.u32 s1, s0  }
0xbc: {  	s0 =	sadd.s32 $0x8F2B, s0  }
0xbd: {  	[sflag:s0] =	ssyncadd.remote.s32 $0x1  }
0xbe: {  	_ =	sfence.sel $0xFFFF  }
0xbf: {  	[dreg:$0x0] =	wrdreg $0xFFFFFFFF;
	(pc) =	sbr.abs _section_cstart, $3  }
0xc0: {  	[dreg:$0x1] =	wrdreg $0xFFFFFFFF  }
0xc1: {  	_ =	task.clear_ibuf [dreg:s6], $0x2FFFF;
	_ =	strace $0x9FFFFFFF  }
0xc2: {  	(tm) =	ssettm $0x7FFFFFFF  }
0xc3: {  	_ =	shalt  }
tec
execute0_lowered:
.L_overlay_start_1:
0x0: {  	(tag) =	ssettag $0x1  }
0x1: {  	s5 =	rddreg [dreg:$0x0]  }
0x2: {  	s2 =	rddreg [dreg:$0x1]  }
0x3: {  	s0 =	rddreg [dreg:$0x2];
	s1 =	stileid.u32  }
0x4: {  	s4 =	srdreg.scid;
	s3 =	simm.s32 $0x0;
	s15 =	simm.s32 $0x80  }
0x5: {  	s16 =	simm.s32 $0x0;
	s6 =	smul.u32 $0x13C00, s1;
	s7 =	sand.u32 $0x1, s4  }
0x6: {  	[smem:$0x7FF] =	sst s3;
	s9 =	sadd.s32 $0x1800, s5;
	s4 =	sadd.s32 $0x15800, s5  }
0x7: {  	s22 =	sshll.u32 s1, $0x1;
	s11 =	smul.u32 $0x4F000, s1;
	s30 =	sshll.u32 s1, $0x6  }
0x8: {  	s8 =	smul.u32 $0x13C000, s7;
	_ =	strace $0x80000047;
	s24 =	sor.u32 s7, s22  }
0x9: {  	s23 =	ssub.s32 $0x2, s7;
	s10 =	sshrl.u32 s6, $0x3;
	s28 =	smul.u32 $0x2800, s24  }
0xa: {  	s25 =	sshrl.u32 s23, $0x1;
	s26 =	sshrl.u32 s11, $0x2;
	s29 =	smul.u32 $0x500, s24  }
0xb: {  	s10 =	sadd.s32 s10, s5;
	s6 =	sadd.s32 s6, s8;
	s13 =	ssub.s32 s23, s25  }
0xc: {  	s14 =	sadd.s32 s26, s2;
	s6 =	sshrl.u32 s6, $0x3;
	s31 =	sshrl.u32 s28, $0x3  }
0xd: {  	s7 =	sadd.s32 s9, s29;
	s11 =	sshrl.u32 s14, $0x3;
	s14 =	simm.s32 $0x13C00  }
0xe: {  	s12 =	sadd.s32 s6, s5;
	s5 =	sadd.s32 $0x16000, s10;
	s6 =	sor.u32 $0x1C01, s30  }
0xf: {  	s8 =	sadd.s32 s9, s31;
	s10 =	smax.u32 s13, $0x1;
	s13 =	simm.s32 $0x15000  }
0x10: {  	s8 =	sadd.s32 $0x280, s8;
	s9 =	sadd.s32 $0x3D800, s12;
	s12 =	simm.s32 $0x1  }
.LBB2_1:
0x11: {  	[spmem:s11], [sflag:s6] =	dma.local [hbm:s5], $0x2780  }
0x12: {  	_ =	swait.ge [sflag:s12], $0x2780  }
0x13: {  	[sflag:s12] =	ssyncset.done $0x0  }
0x14: {  	[sflag:s12] =	ssyncadd.s32 $0xFFFFD880  }
0x15: {  	[tilespmem:s13], [sflag:$0x1] =	stream.linear.gather [hbm4b:s4+s3], $0x4000, $0x38;
	[tilespmem:$0x19000] =	vst v63  }
0x16: {  	_ =	swait.ge [sflag:s12], $0x4000  }
0x17: {  	[sflag:s12] =	ssyncset.done $0x0  }
0x18: {  	[sflag:s12] =	ssyncadd.s32 $0xFFFFC000  }
0x19: {  	[bflag:$0x0] =	sbarrier.arrive $0xFFFF  }
0x1a: {  	[tilespmem:s14], [sflag:$0x1] =	stream.linear.gather [hbm4b:s7+s3], $0x1400, $0x38;
	[tilespmem:$0x19000] =	vst v63  }
0x1b: {  	_ =	swait.ge [sflag:s12], $0x1400  }
0x1c: {  	[sflag:s12] =	ssyncset.done $0x0  }
0x1d: {  	s17 =	simm.s32 $0x13C00;
	[sflag:s12] =	ssyncadd.s32 $0xFFFFEC00  }
0x1e: {  	[spmem:s2] =	stream.indirect.scatter.add.f32 [tilespmem:s13], [sflag:$0x1], $0x80, s17, s15, $0xb8;
	[tilespmem:$0x19000] =	vst v63  }
0x1f: {  	s17 =	simm.s32 $0x200;
	_ =	swait.ge [sflag:s12], $0x4000  }
.LBB2_2:
0x20: {  	s18 =	sshra.s32 s17, $0x2;
	[sflag:s12] =	ssyncset.done $0x0;
	p0 =	sne.s32 s17, $0x4E00  }
.Ltmp0:
0x21: {  	s18 =	sadd.s32 $0x13C00, s18;
	[sflag:s12] =	ssyncadd.s32 $0xFFFFC000;
	(pc) =	sbr.rel @p0 .LBB2_2-.Ltmp0, $3  }
0x22: {  	[spmem:s2] =	stream.indirect.scatter.add.f32 [tilespmem:s13], [sflag:$0x1], $0x80, s18, s15, $0xb8;
	[tilespmem:$0x19000] =	vst v63  }
0x23: {  	s17 =	sadd.s32 $0x200, s17;
	_ =	sdelay $0x1  }
0x24: {  	_ =	swait.ge [sflag:s12], $0x4000  }
0x25: {  	[sflag:s12] =	ssyncset.done $0x0  }
0x26: {  	s17 =	simm.s32 $0x0;
	[sflag:s12] =	ssyncadd.s32 $0xFFFFC000  }
0x27: {  	[tilespmem:s14], [sflag:$0x1] =	stream.linear.gather [hbm4b:s8+s17], $0x1400, $0x38;
	[tilespmem:$0x19000] =	vst v63  }
0x28: {  	_ =	swait.ge [sflag:s12], $0x1400  }
0x29: {  	[sflag:s12] =	ssyncset.done $0x0  }
0x2a: {  	s31 =	simm.s32 $0x13C00;
	[sflag:s12] =	ssyncadd.s32 $0xFFFFEC00  }
0x2b: {  	[spmem:s2] =	stream.indirect.scatter.add.f32 [tilespmem:s13], [sflag:$0x1], $0x80, s31, s15, $0xb8;
	[tilespmem:$0x19000] =	vst v63  }
0x2c: {  	s17 =	simm.s32 $0x200;
	_ =	swait.ge [sflag:s12], $0x4000  }
.LBB2_4:
0x2d: {  	s18 =	sshra.s32 s17, $0x2;
	[sflag:s12] =	ssyncset.done $0x0;
	p0 =	sne.s32 s17, $0x4E00  }
.Ltmp1:
0x2e: {  	s18 =	sadd.s32 $0x13C00, s18;
	[sflag:s12] =	ssyncadd.s32 $0xFFFFC000;
	(pc) =	sbr.rel @p0 .LBB2_4-.Ltmp1, $3  }
0x2f: {  	[spmem:s2] =	stream.indirect.scatter.add.f32 [tilespmem:s13], [sflag:$0x1], $0x80, s18, s15, $0xb8;
	[tilespmem:$0x19000] =	vst v63  }
0x30: {  	s17 =	sadd.s32 $0x200, s17;
	_ =	sdelay $0x1  }
0x31: {  	_ =	swait.ge [sflag:s12], $0x4000  }
0x32: {  	[sflag:s12] =	ssyncset.done $0x0;
	s16 =	sadd.s32 $0x1, s16  }
0x33: {  	[sflag:s12] =	ssyncadd.s32 $0xFFFFC000;
	p0 =	sne.s32 s16, s10  }
.Ltmp2:
0x34: {  	[bflag:$0x0] =	sbarrier.arrive $0xFFFF;
	(pc) =	sbr.rel @p0 .LBB2_1-.Ltmp2, $4  }
0x35: {  	[hbm:s9], [sflag:s6] =	dma.local [spmem:s11], $0x2780  }
0x36: {  	_ =	swait.ge [sflag:s12], $0x2780  }
0x37: {  	[sflag:s12] =	ssyncset.done $0x0  }
0x38: {  	[sflag:s12] =	ssyncadd.s32 $0xFFFFD880  }
0x39: {  	_ =	sfence.sel $0x180000  }
0x3a: {  	[bflag:$0x0] =	sbarrier.arrive $0xFFFF  }
0x3b: {  	p0 =	sne.s32 s1, $0x0;
	_ =	strace $0x90000047  }
0x3c: {  	s0 =	sadd.s32 @!p0 $0x100000, s0;
	[bflag:$0x2] =	sbarrier.arrive $0xFFFF  }
0x3d: {  	[sflag:s0] =	ssyncadd.tile.s32 @!p0 $0x1;
	_ =	shalt  }
.Lfunc_end2:
_tile_overlayer_lowered:
.L_overlay_start_2:
0x3e: {  	(tag) =	ssettag $0x2  }
0x3f: {  	s0 =	rddreg [dreg:$0x0];
	s2 =	stileid.u32  }
0x40: {  	s1 =	rddreg [dreg:$0x1];
	p0 =	sne.s32 s2, $0x0  }
0x41: {  	s3 =	rddreg [dreg:$0x2];
	[bflag:$0x3] =	sbarrier.arrive $0xFFFF;
	s2 =	simm.s32 @!p0 $0x1C01  }
0x42: {  	[timem:s3], [sflag:s2] =	dma.local @!p0 [hbm:s0], s1  }
0x43: {  	s0 =	simm.s32 @!p0 $0x1  }
0x44: {  	_ =	swait.ge @!p0 [sflag:s0], s1  }
0x45: {  	s1 =	ssub.s32 @!p0 $0x0, s1;
	[sflag:s0] =	ssyncset.done @!p0 $0x0  }
0x46: {  	[sflag:s0] =	ssyncadd.s32 @!p0 s1  }
0x47: {  	[bflag:$0x3] =	sbarrier.arrive $0xFFFF  }
0x48: {  	_ =	shalt  }

</sc_bundles>
